<compile_context>
chip_gen: v7x
topology: tpu7x:2x2x1
jax: 0.10.2.dev20260603
libtpu: 0.0.44.dev20260713+nightly
codegen_flags: <defaults>
</compile_context>

<pallas_src>
import jax
import jax.numpy as jnp
from jax import lax
from jax.experimental import pallas as pl
from jax.experimental.pallas import tpu as pltpu
from jax.experimental.pallas import tpu_sc as plsc

B, S = 16, 2048
E = B * S
NC, NS = 2, 16
NW = NC * NS
PER_W = E // NW
NCH = 8
CH = PER_W // NCH
NBUF = 7
DEPTH = 6
NREP = NW
PHONE_D, MIDI_D = 128, 64
F0_D, UNV_D = 64, 16

SBLK = 1024


def _sc_body(ph_lbl_hbm, pt_hbm, out_ph_hbm, idx_v, buf, gsem, wsem):
    wid = lax.axis_index("s") * NC + lax.axis_index("c")
    base = wid * PER_W
    b = wid // (S // PER_W)
    s0 = (wid % (S // PER_W)) * PER_W

    pltpu.sync_copy(ph_lbl_hbm.at[b, pl.ds(s0, PER_W)], idx_v)

    gathers = [
        pltpu.make_async_copy(
            pt_hbm.at[wid % NREP].at[idx_v.at[pl.ds(c * CH, CH)]],
            buf.at[c % NBUF], gsem)
        for c in range(NCH)
    ]
    writes = [
        pltpu.make_async_copy(
            buf.at[c % NBUF],
            out_ph_hbm.at[pl.ds(base + c * CH, CH)],
            wsem.at[c % NBUF],
        )
        for c in range(NCH)
    ]

    for c in range(DEPTH):
        gathers[c].start()
    for c in range(NCH):
        gathers[c].wait()
        writes[c].start()
        if c + DEPTH < NCH:
            if c + DEPTH - NBUF >= 0:
                writes[c + DEPTH - NBUF].wait()
            gathers[c + DEPTH].start()
    for c in range(NCH - NBUF, NCH):
        writes[c].wait()


@jax.jit
def _sc_phone(ph_lbl, phone_table_rep):
    mesh = plsc.VectorSubcoreMesh(core_axis_name="c", subcore_axis_name="s")
    return pl.kernel(
        _sc_body,
        out_type=jax.ShapeDtypeStruct((E, PHONE_D), jnp.float32),
        mesh=mesh,
        scratch_types=[
            pltpu.VMEM((PER_W,), jnp.int32),
            pltpu.VMEM((NBUF, CH, PHONE_D), jnp.float32),
            pltpu.SemaphoreType.DMA,
            pltpu.SemaphoreType.DMA((NBUF,)),
        ],
        compiler_params=pltpu.CompilerParams(use_tc_tiling_on_sc=True),
    )(ph_lbl, phone_table_rep)


def _tc_body(md_ref, f0_ref, un_ref, mtt_ref, wb_ref, om_ref, of_ref, ou_ref):
    wb = wb_ref[...]
    f0v = f0_ref[...]
    wf = wb[:F0_D, 0:1]
    bf = wb[:F0_D, 1:2]
    of_ref[...] = f0v[:, None, :] * wf[None, :, :] + bf[None, :, :]
    unv = un_ref[...]
    wu = wb[F0_D:, 0:1]
    bu = wb[F0_D:, 1:2]
    ou_ref[...] = unv[:, None, :] * wu[None, :, :] + bu[None, :, :]

    mtt = mtt_ref[...]
    md = md_ref[...]
    iota = lax.broadcasted_iota(jnp.int32, (128, SBLK), 0)
    for b in range(B):
        oh = (md[b][None, :] == iota).astype(jnp.float32)
        om_ref[b] = jnp.dot(mtt, oh, preferred_element_type=jnp.float32)


@jax.jit
def _tc_rest(md2, f02, un2, mtt, wb):
    grid = S // SBLK
    blk_in = pl.BlockSpec((B, SBLK), lambda i: (0, i))
    full = lambda shape: pl.BlockSpec(shape, lambda i: (0,) * len(shape))
    out_spec = lambda d: pl.BlockSpec((B, d, SBLK), lambda i: (0, 0, i))
    return pl.pallas_call(
        _tc_body,
        grid=(grid,),
        in_specs=[blk_in, blk_in, blk_in, full((MIDI_D, 128)),
                  full((F0_D + UNV_D, 2))],
        out_specs=[out_spec(MIDI_D), out_spec(F0_D), out_spec(UNV_D)],
        out_shape=[jax.ShapeDtypeStruct((B, MIDI_D, S), jnp.float32),
                   jax.ShapeDtypeStruct((B, F0_D, S), jnp.float32),
                   jax.ShapeDtypeStruct((B, UNV_D, S), jnp.float32)],
    )(md2, f02, un2, mtt, wb)


def kernel(f0, phone_label, phone_duration, midi_label, unvoiced_flag,
           W_f0, b_f0, phone_table, midi_table, W_unv, b_unv):
    ph_lbl = phone_label.astype(jnp.int32)
    pt_rep = jnp.broadcast_to(phone_table[None], (NREP,) + phone_table.shape)
    md2 = midi_label.astype(jnp.int32)
    f02 = f0.reshape(B, S)
    un2 = unvoiced_flag
    mtt = midi_table.T
    wb = jnp.concatenate(
        [jnp.stack([W_f0[:, 0], b_f0], axis=1),
         jnp.stack([W_unv[:, 0], b_unv], axis=1)], axis=0)

    op = _sc_phone(ph_lbl, pt_rep)
    om_t, of_t, ou_t = _tc_rest(md2, f02, un2, mtt, wb)
    return (of_t.transpose(0, 2, 1), op.reshape(B, S, PHONE_D),
            om_t.transpose(0, 2, 1), ou_t.transpose(0, 2, 1))

# --- scband reference (transcript-rebuilt; emitter-appended) ---
"""Pipeline reference for scband-feature-encoder-5815385719439 (READ-ONLY COPY).

The authoritative reference and input builder live on the scoring server;
editing this copy changes nothing except your own understanding.
"""

import jax, jax.numpy as jnp
import numpy as np

B, S = 16, 2048
F0_DIM, PHONE_DIM, MIDI_DIM, UNV_DIM = 64, 128, 64, 16
NUM_PHONES, NUM_MIDI = 100, 128

def setup_inputs(seed: int = 0) -> dict:
    key = jax.random.key(seed)
    ks = jax.random.split(key, 10)
    f0 = jax.random.normal(ks[0], (B, S, 1), dtype=jnp.float32)
    phone_label = jax.random.randint(ks[1], (B, S), 0, NUM_PHONES, dtype=jnp.int64 if jax.config.jax_enable_x64 else jnp.int32)
    phone_duration = jax.random.uniform(ks[2], (B, S), dtype=jnp.float32)
    midi_label = jax.random.randint(ks[3], (B, S), 0, NUM_MIDI, dtype=jnp.int64 if jax.config.jax_enable_x64 else jnp.int32)
    unvoiced_flag = jax.random.uniform(ks[4], (B, S), dtype=jnp.float32)
    W_f0 = jax.random.normal(ks[5], (F0_DIM, 1), dtype=jnp.float32) * 0.02
    b_f0 = jnp.zeros((F0_DIM,), dtype=jnp.float32)
    phone_table = jax.random.normal(ks[6], (NUM_PHONES, PHONE_DIM), dtype=jnp.float32) * 0.02
    midi_table = jax.random.normal(ks[7], (NUM_MIDI, MIDI_DIM), dtype=jnp.float32) * 0.02
    W_unv = jax.random.normal(ks[8], (UNV_DIM, 1), dtype=jnp.float32) * 0.02
    b_unv = jnp.zeros((UNV_DIM,), dtype=jnp.float32)
    return {"f0": f0, "phone_label": phone_label, "phone_duration": phone_duration,
            "midi_label": midi_label, "unvoiced_flag": unvoiced_flag,
            "W_f0": W_f0, "b_f0": b_f0, "phone_table": phone_table,
            "midi_table": midi_table, "W_unv": W_unv, "b_unv": b_unv}

def reference(f0, phone_label, phone_duration, midi_label, unvoiced_flag,
              W_f0, b_f0, phone_table, midi_table, W_unv, b_unv):
    # f0_projection: Linear(1, f0_embed_dim)
    f0_encoded = jnp.matmul(f0, W_f0.T) + b_f0
    # phone embedding lookup
    phone_encoded = jnp.take(phone_table, phone_label.astype(jnp.int32), axis=0)
    # midi embedding lookup (squeeze path not triggered since midi_label is 2D)
    midi_label_sq = midi_label.astype(jnp.int32)
    if midi_label_sq.ndim == 3 and midi_label_sq.shape[2] == 1:
        midi_label_sq = jnp.squeeze(midi_label_sq, axis=2)
    midi_encoded = jnp.take(midi_table, midi_label_sq, axis=0)
    # unvoiced projection: Linear(1, unvoiced_embed_dim)
    unv = unvoiced_flag
    if unv.ndim == 2:
        unv = unv[..., None]
    unvoiced_encoded = jnp.matmul(unv, W_unv.T) + b_unv
    return (f0_encoded, phone_encoded, midi_encoded, unvoiced_encoded)

if __name__ == "__main__":
    import jax
    _d = setup_inputs()
    print(jax.jit(kernel)(*tuple(_d.values())))

</pallas_src>

<mosaic_0001>
#map = affine_map<(d0, d1) -> (0, 0)>
#map1 = affine_map<(d0, d1) -> (0, 0, 0)>
module attributes {stable_mosaic.version = 14 : i64} {
  func.func @_sc_body(%arg0: i32, %arg1: i32, %arg2: memref<16x2048xi32, #tpu.memory_space<hbm>>, %arg3: memref<32x100x128xf32, #tpu.memory_space<hbm>>, %arg4: memref<32768x128xf32, #tpu.memory_space<hbm>>, %arg5: memref<1024xi32, #tpu.memory_space<vmem>>, %arg6: memref<7x128x128xf32, #tpu.memory_space<vmem>>, %arg7: memref<!tpu.dma_semaphore, #tpu.memory_space<semaphore_mem>>, %arg8: memref<7x!tpu.dma_semaphore, #tpu.memory_space<semaphore_mem>>) attributes {dimension_semantics = [#tpu.dimension_semantics<core_parallel>, #tpu.dimension_semantics<subcore_parallel>], iteration_bounds = array<i64: 2, 16>, scalar_prefetch = 0 : i64, scratch_operands = 4 : i64, tpu.core_type = #tpu.core_type<sc_vector_subcore>, window_params = [{transform_indices = #map}, {transform_indices = #map1}, {transform_indices = #map}]} {
    %mul3A = arith.constant 2 : i32
    %mul3A_0 = arith.muli %arg1, %mul3A : i32
    %add3A = arith.addi %mul3A_0, %arg0 : i32
    %mul3A_1 = arith.constant 1024 : i32
    %mul3A_2 = arith.muli %add3A, %mul3A_1 : i32
    %jit3A = arith.constant 2 : i32
    %div3A = arith.divsi %add3A, %jit3A : i32
    %sign3A = arith.constant 0 : i32
    %sign3A_3 = arith.cmpi sgt, %add3A, %sign3A : i32
    %sign3A_4 = arith.extui %sign3A_3 : i1 to i32
    %sign3A_5 = arith.constant 0 : i32
    %sign3A_6 = arith.cmpi slt, %add3A, %sign3A_5 : i32
    %sign3A_7 = arith.extui %sign3A_6 : i1 to i32
    %sign3A_8 = arith.subi %sign3A_4, %sign3A_7 : i32
    %sign3A_9 = arith.constant 0 : i32
    %sign3A_10 = arith.cmpi sgt, %jit3A, %sign3A_9 : i32
    %sign3A_11 = arith.extui %sign3A_10 : i1 to i32
    %sign3A_12 = arith.constant 0 : i32
    %sign3A_13 = arith.cmpi slt, %jit3A, %sign3A_12 : i32
    %sign3A_14 = arith.extui %sign3A_13 : i1 to i32
    %sign3A_15 = arith.subi %sign3A_11, %sign3A_14 : i32
    %ne3A = arith.cmpi ne, %sign3A_8, %sign3A_15 : i32
    %rem3A = arith.remsi %add3A, %jit3A : i32
    %ne3A_16 = arith.constant 0 : i32
    %ne3A_17 = arith.cmpi ne, %rem3A, %ne3A_16 : i32
    %and3A = arith.andi %ne3A, %ne3A_17 : i1
    %sub3A = arith.constant 1 : i32
    %sub3A_18 = arith.subi %div3A, %sub3A : i32
    %select_n3A = arith.select %and3A, %sub3A_18, %div3A : i32
    %jit3A_19 = arith.constant 2 : i32
    %eq3A = arith.constant 0 : i32
    %eq3A_20 = arith.cmpi eq, %jit3A_19, %eq3A : i32
    %jit3A_21 = arith.constant 1 : i32
    %select_n3A_22 = arith.select %eq3A_20, %jit3A_21, %jit3A_19 : i32
    %rem3A_23 = arith.remsi %add3A, %select_n3A_22 : i32
    %ne3A_24 = arith.constant 0 : i32
    %ne3A_25 = arith.cmpi ne, %rem3A_23, %ne3A_24 : i32
    %lt3A = arith.constant 0 : i32
    %lt3A_26 = arith.cmpi slt, %rem3A_23, %lt3A : i32
    %lt3A_27 = arith.constant 0 : i32
    %lt3A_28 = arith.cmpi slt, %select_n3A_22, %lt3A_27 : i32
    %ne3A_29 = arith.xori %lt3A_26, %lt3A_28 : i1
    %and3A_30 = arith.andi %ne3A_29, %ne3A_25 : i1
    %add3A_31 = arith.addi %rem3A_23, %select_n3A_22 : i32
    %select_n3A_32 = arith.select %and3A_30, %add3A_31, %rem3A_23 : i32
    %mul3A_33 = arith.constant 1024 : i32
    %mul3A_34 = arith.muli %select_n3A_32, %mul3A_33 : i32
    "tpu.region"() ({
      %run_scoped3A = tpu.sem_alloc : memref<!tpu.dma_semaphore, #tpu.memory_space<semaphore_mem>>
      %dma_start3A_657 = tpu.memref_slice %arg2[%select_n3A, %mul3A_34] : memref<16x2048xi32, #tpu.memory_space<hbm>> -> memref<1x1024xi32, #tpu.memory_space<hbm>>
      %dma_start3A_658 = tpu.memref_squeeze %dma_start3A_657 : memref<1x1024xi32, #tpu.memory_space<hbm>> -> memref<1024xi32, #tpu.memory_space<hbm>>
      %dma_start3A_659 = tpu.memref_slice %arg2[%select_n3A, %mul3A_34] : memref<16x2048xi32, #tpu.memory_space<hbm>> -> memref<1x1024xi32, #tpu.memory_space<hbm>>
      %dma_start3A_660 = tpu.memref_squeeze %dma_start3A_659 : memref<1x1024xi32, #tpu.memory_space<hbm>> -> memref<1024xi32, #tpu.memory_space<hbm>>
      tpu.enqueue_dma source(%dma_start3A_660 : memref<1024xi32, #tpu.memory_space<hbm>>) target(%arg5 : memref<1024xi32, #tpu.memory_space<vmem>>) target_semaphore(%run_scoped3A : memref<!tpu.dma_semaphore, #tpu.memory_space<semaphore_mem>>)
      %dma_wait3A_661 = tpu.memref_slice %arg2[%select_n3A, %mul3A_34] : memref<16x2048xi32, #tpu.memory_space<hbm>> -> memref<1x1024xi32, #tpu.memory_space<hbm>>
      %dma_wait3A_662 = tpu.memref_squeeze %dma_wait3A_661 : memref<1x1024xi32, #tpu.memory_space<hbm>> -> memref<1024xi32, #tpu.memory_space<hbm>>
      %dma_wait3A_663 = tpu.memref_slice %arg2[%select_n3A, %mul3A_34] : memref<16x2048xi32, #tpu.memory_space<hbm>> -> memref<1x1024xi32, #tpu.memory_space<hbm>>
      %dma_wait3A_664 = tpu.memref_squeeze %dma_wait3A_663 : memref<1x1024xi32, #tpu.memory_space<hbm>> -> memref<1024xi32, #tpu.memory_space<hbm>>
      tpu.wait_dma2 semaphore(%run_scoped3A : memref<!tpu.dma_semaphore, #tpu.memory_space<semaphore_mem>>) src(%dma_wait3A_664 : memref<1024xi32, #tpu.memory_space<hbm>>) dst(%arg5 : memref<1024xi32, #tpu.memory_space<vmem>>)
      tpu.yield
    }) : () -> ()
    %jit3A_35 = arith.constant 32 : i32
    %eq3A_36 = arith.constant 0 : i32
    %eq3A_37 = arith.cmpi eq, %jit3A_35, %eq3A_36 : i32
    %jit3A_38 = arith.constant 1 : i32
    %select_n3A_39 = arith.select %eq3A_37, %jit3A_38, %jit3A_35 : i32
    %rem3A_40 = arith.remsi %add3A, %select_n3A_39 : i32
    %ne3A_41 = arith.constant 0 : i32
    %ne3A_42 = arith.cmpi ne, %rem3A_40, %ne3A_41 : i32
    %lt3A_43 = arith.constant 0 : i32
    %lt3A_44 = arith.cmpi slt, %rem3A_40, %lt3A_43 : i32
    %lt3A_45 = arith.constant 0 : i32
    %lt3A_46 = arith.cmpi slt, %select_n3A_39, %lt3A_45 : i32
    %ne3A_47 = arith.xori %lt3A_44, %lt3A_46 : i1
    %and3A_48 = arith.andi %ne3A_47, %ne3A_42 : i1
    %add3A_49 = arith.addi %rem3A_40, %select_n3A_39 : i32
    %select_n3A_50 = arith.select %and3A_48, %add3A_49, %rem3A_40 : i32
    %jit3A_51 = arith.constant 32 : i32
    %eq3A_52 = arith.constant 0 : i32
    %eq3A_53 = arith.cmpi eq, %jit3A_51, %eq3A_52 : i32
    %jit3A_54 = arith.constant 1 : i32
    %select_n3A_55 = arith.select %eq3A_53, %jit3A_54, %jit3A_51 : i32
    %rem3A_56 = arith.remsi %add3A, %select_n3A_55 : i32
    %ne3A_57 = arith.constant 0 : i32
    %ne3A_58 = arith.cmpi ne, %rem3A_56, %ne3A_57 : i32
    %lt3A_59 = arith.constant 0 : i32
    %lt3A_60 = arith.cmpi slt, %rem3A_56, %lt3A_59 : i32
    %lt3A_61 = arith.constant 0 : i32
    %lt3A_62 = arith.cmpi slt, %select_n3A_55, %lt3A_61 : i32
    %ne3A_63 = arith.xori %lt3A_60, %lt3A_62 : i1
    %and3A_64 = arith.andi %ne3A_63, %ne3A_58 : i1
    %add3A_65 = arith.addi %rem3A_56, %select_n3A_55 : i32
    %select_n3A_66 = arith.select %and3A_64, %add3A_65, %rem3A_56 : i32
    %jit3A_67 = arith.constant 32 : i32
    %eq3A_68 = arith.constant 0 : i32
    %eq3A_69 = arith.cmpi eq, %jit3A_67, %eq3A_68 : i32
    %jit3A_70 = arith.constant 1 : i32
    %select_n3A_71 = arith.select %eq3A_69, %jit3A_70, %jit3A_67 : i32
    %rem3A_72 = arith.remsi %add3A, %select_n3A_71 : i32
    %ne3A_73 = arith.constant 0 : i32
    %ne3A_74 = arith.cmpi ne, %rem3A_72, %ne3A_73 : i32
    %lt3A_75 = arith.constant 0 : i32
    %lt3A_76 = arith.cmpi slt, %rem3A_72, %lt3A_75 : i32
    %lt3A_77 = arith.constant 0 : i32
    %lt3A_78 = arith.cmpi slt, %select_n3A_71, %lt3A_77 : i32
    %ne3A_79 = arith.xori %lt3A_76, %lt3A_78 : i1
    %and3A_80 = arith.andi %ne3A_79, %ne3A_74 : i1
    %add3A_81 = arith.addi %rem3A_72, %select_n3A_71 : i32
    %select_n3A_82 = arith.select %and3A_80, %add3A_81, %rem3A_72 : i32
    %jit3A_83 = arith.constant 32 : i32
    %eq3A_84 = arith.constant 0 : i32
    %eq3A_85 = arith.cmpi eq, %jit3A_83, %eq3A_84 : i32
    %jit3A_86 = arith.constant 1 : i32
    %select_n3A_87 = arith.select %eq3A_85, %jit3A_86, %jit3A_83 : i32
    %rem3A_88 = arith.remsi %add3A, %select_n3A_87 : i32
    %ne3A_89 = arith.constant 0 : i32
    %ne3A_90 = arith.cmpi ne, %rem3A_88, %ne3A_89 : i32
    %lt3A_91 = arith.constant 0 : i32
    %lt3A_92 = arith.cmpi slt, %rem3A_88, %lt3A_91 : i32
    %lt3A_93 = arith.constant 0 : i32
    %lt3A_94 = arith.cmpi slt, %select_n3A_87, %lt3A_93 : i32
    %ne3A_95 = arith.xori %lt3A_92, %lt3A_94 : i1
    %and3A_96 = arith.andi %ne3A_95, %ne3A_90 : i1
    %add3A_97 = arith.addi %rem3A_88, %select_n3A_87 : i32
    %select_n3A_98 = arith.select %and3A_96, %add3A_97, %rem3A_88 : i32
    %jit3A_99 = arith.constant 32 : i32
    %eq3A_100 = arith.constant 0 : i32
    %eq3A_101 = arith.cmpi eq, %jit3A_99, %eq3A_100 : i32
    %jit3A_102 = arith.constant 1 : i32
    %select_n3A_103 = arith.select %eq3A_101, %jit3A_102, %jit3A_99 : i32
    %rem3A_104 = arith.remsi %add3A, %select_n3A_103 : i32
    %ne3A_105 = arith.constant 0 : i32
    %ne3A_106 = arith.cmpi ne, %rem3A_104, %ne3A_105 : i32
    %lt3A_107 = arith.constant 0 : i32
    %lt3A_108 = arith.cmpi slt, %rem3A_104, %lt3A_107 : i32
    %lt3A_109 = arith.constant 0 : i32
    %lt3A_110 = arith.cmpi slt, %select_n3A_103, %lt3A_109 : i32
    %ne3A_111 = arith.xori %lt3A_108, %lt3A_110 : i1
    %and3A_112 = arith.andi %ne3A_111, %ne3A_106 : i1
    %add3A_113 = arith.addi %rem3A_104, %select_n3A_103 : i32
    %select_n3A_114 = arith.select %and3A_112, %add3A_113, %rem3A_104 : i32
    %jit3A_115 = arith.constant 32 : i32
    %eq3A_116 = arith.constant 0 : i32
    %eq3A_117 = arith.cmpi eq, %jit3A_115, %eq3A_116 : i32
    %jit3A_118 = arith.constant 1 : i32
    %select_n3A_119 = arith.select %eq3A_117, %jit3A_118, %jit3A_115 : i32
    %rem3A_120 = arith.remsi %add3A, %select_n3A_119 : i32
    %ne3A_121 = arith.constant 0 : i32
    %ne3A_122 = arith.cmpi ne, %rem3A_120, %ne3A_121 : i32
    %lt3A_123 = arith.constant 0 : i32
    %lt3A_124 = arith.cmpi slt, %rem3A_120, %lt3A_123 : i32
    %lt3A_125 = arith.constant 0 : i32
    %lt3A_126 = arith.cmpi slt, %select_n3A_119, %lt3A_125 : i32
    %ne3A_127 = arith.xori %lt3A_124, %lt3A_126 : i1
    %and3A_128 = arith.andi %ne3A_127, %ne3A_122 : i1
    %add3A_129 = arith.addi %rem3A_120, %select_n3A_119 : i32
    %select_n3A_130 = arith.select %and3A_128, %add3A_129, %rem3A_120 : i32
    %jit3A_131 = arith.constant 32 : i32
    %eq3A_132 = arith.constant 0 : i32
    %eq3A_133 = arith.cmpi eq, %jit3A_131, %eq3A_132 : i32
    %jit3A_134 = arith.constant 1 : i32
    %select_n3A_135 = arith.select %eq3A_133, %jit3A_134, %jit3A_131 : i32
    %rem3A_136 = arith.remsi %add3A, %select_n3A_135 : i32
    %ne3A_137 = arith.constant 0 : i32
    %ne3A_138 = arith.cmpi ne, %rem3A_136, %ne3A_137 : i32
    %lt3A_139 = arith.constant 0 : i32
    %lt3A_140 = arith.cmpi slt, %rem3A_136, %lt3A_139 : i32
    %lt3A_141 = arith.constant 0 : i32
    %lt3A_142 = arith.cmpi slt, %select_n3A_135, %lt3A_141 : i32
    %ne3A_143 = arith.xori %lt3A_140, %lt3A_142 : i1
    %and3A_144 = arith.andi %ne3A_143, %ne3A_138 : i1
    %add3A_145 = arith.addi %rem3A_136, %select_n3A_135 : i32
    %select_n3A_146 = arith.select %and3A_144, %add3A_145, %rem3A_136 : i32
    %jit3A_147 = arith.constant 32 : i32
    %eq3A_148 = arith.constant 0 : i32
    %eq3A_149 = arith.cmpi eq, %jit3A_147, %eq3A_148 : i32
    %jit3A_150 = arith.constant 1 : i32
    %select_n3A_151 = arith.select %eq3A_149, %jit3A_150, %jit3A_147 : i32
    %rem3A_152 = arith.remsi %add3A, %select_n3A_151 : i32
    %ne3A_153 = arith.constant 0 : i32
    %ne3A_154 = arith.cmpi ne, %rem3A_152, %ne3A_153 : i32
    %lt3A_155 = arith.constant 0 : i32
    %lt3A_156 = arith.cmpi slt, %rem3A_152, %lt3A_155 : i32
    %lt3A_157 = arith.constant 0 : i32
    %lt3A_158 = arith.cmpi slt, %select_n3A_151, %lt3A_157 : i32
    %ne3A_159 = arith.xori %lt3A_156, %lt3A_158 : i1
    %and3A_160 = arith.andi %ne3A_159, %ne3A_154 : i1
    %add3A_161 = arith.addi %rem3A_152, %select_n3A_151 : i32
    %select_n3A_162 = arith.select %and3A_160, %add3A_161, %rem3A_152 : i32
    %add3A_163 = arith.constant 0 : i32
    %add3A_164 = arith.addi %mul3A_2, %add3A_163 : i32
    %add3A_165 = arith.constant 128 : i32
    %add3A_166 = arith.addi %mul3A_2, %add3A_165 : i32
    %add3A_167 = arith.constant 256 : i32
    %add3A_168 = arith.addi %mul3A_2, %add3A_167 : i32
    %add3A_169 = arith.constant 384 : i32
    %add3A_170 = arith.addi %mul3A_2, %add3A_169 : i32
    %add3A_171 = arith.constant 512 : i32
    %add3A_172 = arith.addi %mul3A_2, %add3A_171 : i32
    %add3A_173 = arith.constant 640 : i32
    %add3A_174 = arith.addi %mul3A_2, %add3A_173 : i32
    %add3A_175 = arith.constant 768 : i32
    %add3A_176 = arith.addi %mul3A_2, %add3A_175 : i32
    %add3A_177 = arith.constant 896 : i32
    %add3A_178 = arith.addi %mul3A_2, %add3A_177 : i32
    %dma_start3A = arith.constant 0 : i32
    %dma_start3A_179 = arith.constant 0 : i32
    %dma_start3A_180 = arith.constant 0 : i32
    %dma_start3A_181 = tpu.memref_slice %arg6[%dma_start3A, %dma_start3A_179, %dma_start3A_180] : memref<7x128x128xf32, #tpu.memory_space<vmem>> -> memref<1x128x128xf32, #tpu.memory_space<vmem>>
    %dma_start3A_182 = tpu.memref_squeeze %dma_start3A_181 : memref<1x128x128xf32, #tpu.memory_space<vmem>> -> memref<128x128xf32, #tpu.memory_space<vmem>>
    %dma_start3A_183 = arith.constant 0 : i32
    %dma_start3A_184 = tpu.memref_slice %arg5[%dma_start3A_183] : memref<1024xi32, #tpu.memory_space<vmem>> -> memref<128xi32, #tpu.memory_space<vmem>>
    %dma_start3A_185 = arith.constant 0 : i32
    %dma_start3A_186 = arith.constant 0 : i32
    %dma_start3A_187 = tpu.memref_slice %arg3[%select_n3A_50, %dma_start3A_185, %dma_start3A_186] : memref<32x100x128xf32, #tpu.memory_space<hbm>> -> memref<1x100x128xf32, #tpu.memory_space<hbm>>
    %dma_start3A_188 = tpu.memref_squeeze %dma_start3A_187 : memref<1x100x128xf32, #tpu.memory_space<hbm>> -> memref<100x128xf32, #tpu.memory_space<hbm>>
    %dma_start3A_189 = arith.constant 0 : i32
    %dma_start3A_190 = arith.constant 0 : i32
    %dma_start3A_191 = tpu.memref_slice %dma_start3A_188[%dma_start3A_189, %dma_start3A_190] : memref<100x128xf32, #tpu.memory_space<hbm>> -> memref<100x128xf32, #tpu.memory_space<hbm>>
    tpu.enqueue_indirect_dma source(%dma_start3A_191 : memref<100x128xf32, #tpu.memory_space<hbm>>) target(%dma_start3A_182 : memref<128x128xf32, #tpu.memory_space<vmem>>) offsets(%dma_start3A_184 : memref<128xi32, #tpu.memory_space<vmem>>) semaphore(%arg7 : memref<!tpu.dma_semaphore, #tpu.memory_space<semaphore_mem>>)
    %dma_start3A_192 = arith.constant 1 : i32
    %dma_start3A_193 = arith.constant 0 : i32
    %dma_start3A_194 = arith.constant 0 : i32
    %dma_start3A_195 = tpu.memref_slice %arg6[%dma_start3A_192, %dma_start3A_193, %dma_start3A_194] : memref<7x128x128xf32, #tpu.memory_space<vmem>> -> memref<1x128x128xf32, #tpu.memory_space<vmem>>
    %dma_start3A_196 = tpu.memref_squeeze %dma_start3A_195 : memref<1x128x128xf32, #tpu.memory_space<vmem>> -> memref<128x128xf32, #tpu.memory_space<vmem>>
    %dma_start3A_197 = arith.constant 128 : i32
    %dma_start3A_198 = tpu.memref_slice %arg5[%dma_start3A_197] : memref<1024xi32, #tpu.memory_space<vmem>> -> memref<128xi32, #tpu.memory_space<vmem>>
    %dma_start3A_199 = arith.constant 0 : i32
    %dma_start3A_200 = arith.constant 0 : i32
    %dma_start3A_201 = tpu.memref_slice %arg3[%select_n3A_66, %dma_start3A_199, %dma_start3A_200] : memref<32x100x128xf32, #tpu.memory_space<hbm>> -> memref<1x100x128xf32, #tpu.memory_space<hbm>>
    %dma_start3A_202 = tpu.memref_squeeze %dma_start3A_201 : memref<1x100x128xf32, #tpu.memory_space<hbm>> -> memref<100x128xf32, #tpu.memory_space<hbm>>
    %dma_start3A_203 = arith.constant 0 : i32
    %dma_start3A_204 = arith.constant 0 : i32
    %dma_start3A_205 = tpu.memref_slice %dma_start3A_202[%dma_start3A_203, %dma_start3A_204] : memref<100x128xf32, #tpu.memory_space<hbm>> -> memref<100x128xf32, #tpu.memory_space<hbm>>
    tpu.enqueue_indirect_dma source(%dma_start3A_205 : memref<100x128xf32, #tpu.memory_space<hbm>>) target(%dma_start3A_196 : memref<128x128xf32, #tpu.memory_space<vmem>>) offsets(%dma_start3A_198 : memref<128xi32, #tpu.memory_space<vmem>>) semaphore(%arg7 : memref<!tpu.dma_semaphore, #tpu.memory_space<semaphore_mem>>)
    %dma_start3A_206 = arith.constant 2 : i32
    %dma_start3A_207 = arith.constant 0 : i32
    %dma_start3A_208 = arith.constant 0 : i32
    %dma_start3A_209 = tpu.memref_slice %arg6[%dma_start3A_206, %dma_start3A_207, %dma_start3A_208] : memref<7x128x128xf32, #tpu.memory_space<vmem>> -> memref<1x128x128xf32, #tpu.memory_space<vmem>>
    %dma_start3A_210 = tpu.memref_squeeze %dma_start3A_209 : memref<1x128x128xf32, #tpu.memory_space<vmem>> -> memref<128x128xf32, #tpu.memory_space<vmem>>
    %dma_start3A_211 = arith.constant 256 : i32
    %dma_start3A_212 = tpu.memref_slice %arg5[%dma_start3A_211] : memref<1024xi32, #tpu.memory_space<vmem>> -> memref<128xi32, #tpu.memory_space<vmem>>
    %dma_start3A_213 = arith.constant 0 : i32
    %dma_start3A_214 = arith.constant 0 : i32
    %dma_start3A_215 = tpu.memref_slice %arg3[%select_n3A_82, %dma_start3A_213, %dma_start3A_214] : memref<32x100x128xf32, #tpu.memory_space<hbm>> -> memref<1x100x128xf32, #tpu.memory_space<hbm>>
    %dma_start3A_216 = tpu.memref_squeeze %dma_start3A_215 : memref<1x100x128xf32, #tpu.memory_space<hbm>> -> memref<100x128xf32, #tpu.memory_space<hbm>>
    %dma_start3A_217 = arith.constant 0 : i32
    %dma_start3A_218 = arith.constant 0 : i32
    %dma_start3A_219 = tpu.memref_slice %dma_start3A_216[%dma_start3A_217, %dma_start3A_218] : memref<100x128xf32, #tpu.memory_space<hbm>> -> memref<100x128xf32, #tpu.memory_space<hbm>>
    tpu.enqueue_indirect_dma source(%dma_start3A_219 : memref<100x128xf32, #tpu.memory_space<hbm>>) target(%dma_start3A_210 : memref<128x128xf32, #tpu.memory_space<vmem>>) offsets(%dma_start3A_212 : memref<128xi32, #tpu.memory_space<vmem>>) semaphore(%arg7 : memref<!tpu.dma_semaphore, #tpu.memory_space<semaphore_mem>>)
    %dma_start3A_220 = arith.constant 3 : i32
    %dma_start3A_221 = arith.constant 0 : i32
    %dma_start3A_222 = arith.constant 0 : i32
    %dma_start3A_223 = tpu.memref_slice %arg6[%dma_start3A_220, %dma_start3A_221, %dma_start3A_222] : memref<7x128x128xf32, #tpu.memory_space<vmem>> -> memref<1x128x128xf32, #tpu.memory_space<vmem>>
    %dma_start3A_224 = tpu.memref_squeeze %dma_start3A_223 : memref<1x128x128xf32, #tpu.memory_space<vmem>> -> memref<128x128xf32, #tpu.memory_space<vmem>>
    %dma_start3A_225 = arith.constant 384 : i32
    %dma_start3A_226 = tpu.memref_slice %arg5[%dma_start3A_225] : memref<1024xi32, #tpu.memory_space<vmem>> -> memref<128xi32, #tpu.memory_space<vmem>>
    %dma_start3A_227 = arith.constant 0 : i32
    %dma_start3A_228 = arith.constant 0 : i32
    %dma_start3A_229 = tpu.memref_slice %arg3[%select_n3A_98, %dma_start3A_227, %dma_start3A_228] : memref<32x100x128xf32, #tpu.memory_space<hbm>> -> memref<1x100x128xf32, #tpu.memory_space<hbm>>
    %dma_start3A_230 = tpu.memref_squeeze %dma_start3A_229 : memref<1x100x128xf32, #tpu.memory_space<hbm>> -> memref<100x128xf32, #tpu.memory_space<hbm>>
    %dma_start3A_231 = arith.constant 0 : i32
    %dma_start3A_232 = arith.constant 0 : i32
    %dma_start3A_233 = tpu.memref_slice %dma_start3A_230[%dma_start3A_231, %dma_start3A_232] : memref<100x128xf32, #tpu.memory_space<hbm>> -> memref<100x128xf32, #tpu.memory_space<hbm>>
    tpu.enqueue_indirect_dma source(%dma_start3A_233 : memref<100x128xf32, #tpu.memory_space<hbm>>) target(%dma_start3A_224 : memref<128x128xf32, #tpu.memory_space<vmem>>) offsets(%dma_start3A_226 : memref<128xi32, #tpu.memory_space<vmem>>) semaphore(%arg7 : memref<!tpu.dma_semaphore, #tpu.memory_space<semaphore_mem>>)
    %dma_start3A_234 = arith.constant 4 : i32
    %dma_start3A_235 = arith.constant 0 : i32
    %dma_start3A_236 = arith.constant 0 : i32
    %dma_start3A_237 = tpu.memref_slice %arg6[%dma_start3A_234, %dma_start3A_235, %dma_start3A_236] : memref<7x128x128xf32, #tpu.memory_space<vmem>> -> memref<1x128x128xf32, #tpu.memory_space<vmem>>
    %dma_start3A_238 = tpu.memref_squeeze %dma_start3A_237 : memref<1x128x128xf32, #tpu.memory_space<vmem>> -> memref<128x128xf32, #tpu.memory_space<vmem>>
    %dma_start3A_239 = arith.constant 512 : i32
    %dma_start3A_240 = tpu.memref_slice %arg5[%dma_start3A_239] : memref<1024xi32, #tpu.memory_space<vmem>> -> memref<128xi32, #tpu.memory_space<vmem>>
    %dma_start3A_241 = arith.constant 0 : i32
    %dma_start3A_242 = arith.constant 0 : i32
    %dma_start3A_243 = tpu.memref_slice %arg3[%select_n3A_114, %dma_start3A_241, %dma_start3A_242] : memref<32x100x128xf32, #tpu.memory_space<hbm>> -> memref<1x100x128xf32, #tpu.memory_space<hbm>>
    %dma_start3A_244 = tpu.memref_squeeze %dma_start3A_243 : memref<1x100x128xf32, #tpu.memory_space<hbm>> -> memref<100x128xf32, #tpu.memory_space<hbm>>
    %dma_start3A_245 = arith.constant 0 : i32
    %dma_start3A_246 = arith.constant 0 : i32
    %dma_start3A_247 = tpu.memref_slice %dma_start3A_244[%dma_start3A_245, %dma_start3A_246] : memref<100x128xf32, #tpu.memory_space<hbm>> -> memref<100x128xf32, #tpu.memory_space<hbm>>
    tpu.enqueue_indirect_dma source(%dma_start3A_247 : memref<100x128xf32, #tpu.memory_space<hbm>>) target(%dma_start3A_238 : memref<128x128xf32, #tpu.memory_space<vmem>>) offsets(%dma_start3A_240 : memref<128xi32, #tpu.memory_space<vmem>>) semaphore(%arg7 : memref<!tpu.dma_semaphore, #tpu.memory_space<semaphore_mem>>)
    %dma_start3A_248 = arith.constant 5 : i32
    %dma_start3A_249 = arith.constant 0 : i32
    %dma_start3A_250 = arith.constant 0 : i32
    %dma_start3A_251 = tpu.memref_slice %arg6[%dma_start3A_248, %dma_start3A_249, %dma_start3A_250] : memref<7x128x128xf32, #tpu.memory_space<vmem>> -> memref<1x128x128xf32, #tpu.memory_space<vmem>>
    %dma_start3A_252 = tpu.memref_squeeze %dma_start3A_251 : memref<1x128x128xf32, #tpu.memory_space<vmem>> -> memref<128x128xf32, #tpu.memory_space<vmem>>
    %dma_start3A_253 = arith.constant 640 : i32
    %dma_start3A_254 = tpu.memref_slice %arg5[%dma_start3A_253] : memref<1024xi32, #tpu.memory_space<vmem>> -> memref<128xi32, #tpu.memory_space<vmem>>
    %dma_start3A_255 = arith.constant 0 : i32
    %dma_start3A_256 = arith.constant 0 : i32
    %dma_start3A_257 = tpu.memref_slice %arg3[%select_n3A_130, %dma_start3A_255, %dma_start3A_256] : memref<32x100x128xf32, #tpu.memory_space<hbm>> -> memref<1x100x128xf32, #tpu.memory_space<hbm>>
    %dma_start3A_258 = tpu.memref_squeeze %dma_start3A_257 : memref<1x100x128xf32, #tpu.memory_space<hbm>> -> memref<100x128xf32, #tpu.memory_space<hbm>>
    %dma_start3A_259 = arith.constant 0 : i32
    %dma_start3A_260 = arith.constant 0 : i32
    %dma_start3A_261 = tpu.memref_slice %dma_start3A_258[%dma_start3A_259, %dma_start3A_260] : memref<100x128xf32, #tpu.memory_space<hbm>> -> memref<100x128xf32, #tpu.memory_space<hbm>>
    tpu.enqueue_indirect_dma source(%dma_start3A_261 : memref<100x128xf32, #tpu.memory_space<hbm>>) target(%dma_start3A_252 : memref<128x128xf32, #tpu.memory_space<vmem>>) offsets(%dma_start3A_254 : memref<128xi32, #tpu.memory_space<vmem>>) semaphore(%arg7 : memref<!tpu.dma_semaphore, #tpu.memory_space<semaphore_mem>>)
    %dma_wait3A = arith.constant 0 : i32
    %dma_wait3A_262 = arith.constant 0 : i32
    %dma_wait3A_263 = arith.constant 0 : i32
    %dma_wait3A_264 = tpu.memref_slice %arg6[%dma_wait3A, %dma_wait3A_262, %dma_wait3A_263] : memref<7x128x128xf32, #tpu.memory_space<vmem>> -> memref<1x128x128xf32, #tpu.memory_space<vmem>>
    %dma_wait3A_265 = tpu.memref_squeeze %dma_wait3A_264 : memref<1x128x128xf32, #tpu.memory_space<vmem>> -> memref<128x128xf32, #tpu.memory_space<vmem>>
    %dma_wait3A_266 = arith.constant 0 : i32
    %dma_wait3A_267 = tpu.memref_slice %arg5[%dma_wait3A_266] : memref<1024xi32, #tpu.memory_space<vmem>> -> memref<128xi32, #tpu.memory_space<vmem>>
    %dma_wait3A_268 = arith.constant 0 : i32
    %dma_wait3A_269 = arith.constant 0 : i32
    %dma_wait3A_270 = tpu.memref_slice %arg3[%select_n3A_50, %dma_wait3A_268, %dma_wait3A_269] : memref<32x100x128xf32, #tpu.memory_space<hbm>> -> memref<1x100x128xf32, #tpu.memory_space<hbm>>
    %dma_wait3A_271 = tpu.memref_squeeze %dma_wait3A_270 : memref<1x100x128xf32, #tpu.memory_space<hbm>> -> memref<100x128xf32, #tpu.memory_space<hbm>>
    %dma_wait3A_272 = arith.constant 0 : i32
    %dma_wait3A_273 = arith.constant 0 : i32
    %dma_wait3A_274 = tpu.memref_slice %dma_wait3A_271[%dma_wait3A_272, %dma_wait3A_273] : memref<100x128xf32, #tpu.memory_space<hbm>> -> memref<100x128xf32, #tpu.memory_space<hbm>>
    tpu.wait_indirect_dma semaphore(%arg7 : memref<!tpu.dma_semaphore, #tpu.memory_space<semaphore_mem>>) src(%dma_wait3A_274 : memref<100x128xf32, #tpu.memory_space<hbm>>) dst(%dma_wait3A_265 : memref<128x128xf32, #tpu.memory_space<vmem>>)
    %dma_start3A_275 = arith.constant 0 : i32
    %dma_start3A_276 = arith.constant 0 : i32
    %dma_start3A_277 = arith.constant 0 : i32
    %dma_start3A_278 = arith.constant 0 : i32
    %dma_start3A_279 = tpu.memref_slice %arg6[%dma_start3A_275, %dma_start3A_277, %dma_start3A_278] : memref<7x128x128xf32, #tpu.memory_space<vmem>> -> memref<1x128x128xf32, #tpu.memory_space<vmem>>
    %dma_start3A_280 = tpu.memref_squeeze %dma_start3A_279 : memref<1x128x128xf32, #tpu.memory_space<vmem>> -> memref<128x128xf32, #tpu.memory_space<vmem>>
    %dma_start3A_281 = arith.constant 0 : i32
    %dma_start3A_282 = tpu.memref_slice %arg4[%add3A_164, %dma_start3A_281] : memref<32768x128xf32, #tpu.memory_space<hbm>> -> memref<128x128xf32, #tpu.memory_space<hbm>>
    %dma_start3A_283 = tpu.memref_slice %arg8[%dma_start3A_276] : memref<7x!tpu.dma_semaphore, #tpu.memory_space<semaphore_mem>> -> memref<1x!tpu.dma_semaphore, #tpu.memory_space<semaphore_mem>>
    %dma_start3A_284 = tpu.memref_squeeze %dma_start3A_283 : memref<1x!tpu.dma_semaphore, #tpu.memory_space<semaphore_mem>> -> memref<!tpu.dma_semaphore, #tpu.memory_space<semaphore_mem>>
    %dma_start3A_285 = arith.constant 0 : i32
    %dma_start3A_286 = tpu.memref_slice %arg4[%add3A_164, %dma_start3A_285] : memref<32768x128xf32, #tpu.memory_space<hbm>> -> memref<128x128xf32, #tpu.memory_space<hbm>>
    %dma_start3A_287 = arith.constant 0 : i32
    %dma_start3A_288 = arith.constant 0 : i32
    %dma_start3A_289 = tpu.memref_slice %arg6[%dma_start3A_275, %dma_start3A_287, %dma_start3A_288] : memref<7x128x128xf32, #tpu.memory_space<vmem>> -> memref<1x128x128xf32, #tpu.memory_space<vmem>>
    %dma_start3A_290 = tpu.memref_squeeze %dma_start3A_289 : memref<1x128x128xf32, #tpu.memory_space<vmem>> -> memref<128x128xf32, #tpu.memory_space<vmem>>
    tpu.enqueue_dma source(%dma_start3A_290 : memref<128x128xf32, #tpu.memory_space<vmem>>) target(%dma_start3A_286 : memref<128x128xf32, #tpu.memory_space<hbm>>) target_semaphore(%dma_start3A_284 : memref<!tpu.dma_semaphore, #tpu.memory_space<semaphore_mem>>)
    %dma_start3A_291 = arith.constant 6 : i32
    %dma_start3A_292 = arith.constant 0 : i32
    %dma_start3A_293 = arith.constant 0 : i32
    %dma_start3A_294 = tpu.memref_slice %arg6[%dma_start3A_291, %dma_start3A_292, %dma_start3A_293] : memref<7x128x128xf32, #tpu.memory_space<vmem>> -> memref<1x128x128xf32, #tpu.memory_space<vmem>>
    %dma_start3A_295 = tpu.memref_squeeze %dma_start3A_294 : memref<1x128x128xf32, #tpu.memory_space<vmem>> -> memref<128x128xf32, #tpu.memory_space<vmem>>
    %dma_start3A_296 = arith.constant 768 : i32
    %dma_start3A_297 = tpu.memref_slice %arg5[%dma_start3A_296] : memref<1024xi32, #tpu.memory_space<vmem>> -> memref<128xi32, #tpu.memory_space<vmem>>
    %dma_start3A_298 = arith.constant 0 : i32
    %dma_start3A_299 = arith.constant 0 : i32
    %dma_start3A_300 = tpu.memref_slice %arg3[%select_n3A_146, %dma_start3A_298, %dma_start3A_299] : memref<32x100x128xf32, #tpu.memory_space<hbm>> -> memref<1x100x128xf32, #tpu.memory_space<hbm>>
    %dma_start3A_301 = tpu.memref_squeeze %dma_start3A_300 : memref<1x100x128xf32, #tpu.memory_space<hbm>> -> memref<100x128xf32, #tpu.memory_space<hbm>>
    %dma_start3A_302 = arith.constant 0 : i32
    %dma_start3A_303 = arith.constant 0 : i32
    %dma_start3A_304 = tpu.memref_slice %dma_start3A_301[%dma_start3A_302, %dma_start3A_303] : memref<100x128xf32, #tpu.memory_space<hbm>> -> memref<100x128xf32, #tpu.memory_space<hbm>>
    tpu.enqueue_indirect_dma source(%dma_start3A_304 : memref<100x128xf32, #tpu.memory_space<hbm>>) target(%dma_start3A_295 : memref<128x128xf32, #tpu.memory_space<vmem>>) offsets(%dma_start3A_297 : memref<128xi32, #tpu.memory_space<vmem>>) semaphore(%arg7 : memref<!tpu.dma_semaphore, #tpu.memory_space<semaphore_mem>>)
    %dma_wait3A_305 = arith.constant 1 : i32
    %dma_wait3A_306 = arith.constant 0 : i32
    %dma_wait3A_307 = arith.constant 0 : i32
    %dma_wait3A_308 = tpu.memref_slice %arg6[%dma_wait3A_305, %dma_wait3A_306, %dma_wait3A_307] : memref<7x128x128xf32, #tpu.memory_space<vmem>> -> memref<1x128x128xf32, #tpu.memory_space<vmem>>
    %dma_wait3A_309 = tpu.memref_squeeze %dma_wait3A_308 : memref<1x128x128xf32, #tpu.memory_space<vmem>> -> memref<128x128xf32, #tpu.memory_space<vmem>>
    %dma_wait3A_310 = arith.constant 128 : i32
    %dma_wait3A_311 = tpu.memref_slice %arg5[%dma_wait3A_310] : memref<1024xi32, #tpu.memory_space<vmem>> -> memref<128xi32, #tpu.memory_space<vmem>>
    %dma_wait3A_312 = arith.constant 0 : i32
    %dma_wait3A_313 = arith.constant 0 : i32
    %dma_wait3A_314 = tpu.memref_slice %arg3[%select_n3A_66, %dma_wait3A_312, %dma_wait3A_313] : memref<32x100x128xf32, #tpu.memory_space<hbm>> -> memref<1x100x128xf32, #tpu.memory_space<hbm>>
    %dma_wait3A_315 = tpu.memref_squeeze %dma_wait3A_314 : memref<1x100x128xf32, #tpu.memory_space<hbm>> -> memref<100x128xf32, #tpu.memory_space<hbm>>
    %dma_wait3A_316 = arith.constant 0 : i32
    %dma_wait3A_317 = arith.constant 0 : i32
    %dma_wait3A_318 = tpu.memref_slice %dma_wait3A_315[%dma_wait3A_316, %dma_wait3A_317] : memref<100x128xf32, #tpu.memory_space<hbm>> -> memref<100x128xf32, #tpu.memory_space<hbm>>
    tpu.wait_indirect_dma semaphore(%arg7 : memref<!tpu.dma_semaphore, #tpu.memory_space<semaphore_mem>>) src(%dma_wait3A_318 : memref<100x128xf32, #tpu.memory_space<hbm>>) dst(%dma_wait3A_309 : memref<128x128xf32, #tpu.memory_space<vmem>>)
    %dma_start3A_319 = arith.constant 1 : i32
    %dma_start3A_320 = arith.constant 1 : i32
    %dma_start3A_321 = arith.constant 0 : i32
    %dma_start3A_322 = arith.constant 0 : i32
    %dma_start3A_323 = tpu.memref_slice %arg6[%dma_start3A_319, %dma_start3A_321, %dma_start3A_322] : memref<7x128x128xf32, #tpu.memory_space<vmem>> -> memref<1x128x128xf32, #tpu.memory_space<vmem>>
    %dma_start3A_324 = tpu.memref_squeeze %dma_start3A_323 : memref<1x128x128xf32, #tpu.memory_space<vmem>> -> memref<128x128xf32, #tpu.memory_space<vmem>>
    %dma_start3A_325 = arith.constant 0 : i32
    %dma_start3A_326 = tpu.memref_slice %arg4[%add3A_166, %dma_start3A_325] : memref<32768x128xf32, #tpu.memory_space<hbm>> -> memref<128x128xf32, #tpu.memory_space<hbm>>
    %dma_start3A_327 = tpu.memref_slice %arg8[%dma_start3A_320] : memref<7x!tpu.dma_semaphore, #tpu.memory_space<semaphore_mem>> -> memref<1x!tpu.dma_semaphore, #tpu.memory_space<semaphore_mem>>
    %dma_start3A_328 = tpu.memref_squeeze %dma_start3A_327 : memref<1x!tpu.dma_semaphore, #tpu.memory_space<semaphore_mem>> -> memref<!tpu.dma_semaphore, #tpu.memory_space<semaphore_mem>>
    %dma_start3A_329 = arith.constant 0 : i32
    %dma_start3A_330 = tpu.memref_slice %arg4[%add3A_166, %dma_start3A_329] : memref<32768x128xf32, #tpu.memory_space<hbm>> -> memref<128x128xf32, #tpu.memory_space<hbm>>
    %dma_start3A_331 = arith.constant 0 : i32
    %dma_start3A_332 = arith.constant 0 : i32
    %dma_start3A_333 = tpu.memref_slice %arg6[%dma_start3A_319, %dma_start3A_331, %dma_start3A_332] : memref<7x128x128xf32, #tpu.memory_space<vmem>> -> memref<1x128x128xf32, #tpu.memory_space<vmem>>
    %dma_start3A_334 = tpu.memref_squeeze %dma_start3A_333 : memref<1x128x128xf32, #tpu.memory_space<vmem>> -> memref<128x128xf32, #tpu.memory_space<vmem>>
    tpu.enqueue_dma source(%dma_start3A_334 : memref<128x128xf32, #tpu.memory_space<vmem>>) target(%dma_start3A_330 : memref<128x128xf32, #tpu.memory_space<hbm>>) target_semaphore(%dma_start3A_328 : memref<!tpu.dma_semaphore, #tpu.memory_space<semaphore_mem>>)
    %dma_wait3A_335 = arith.constant 0 : i32
    %dma_wait3A_336 = arith.constant 0 : i32
    %dma_wait3A_337 = arith.constant 0 : i32
    %dma_wait3A_338 = arith.constant 0 : i32
    %dma_wait3A_339 = tpu.memref_slice %arg6[%dma_wait3A_335, %dma_wait3A_337, %dma_wait3A_338] : memref<7x128x128xf32, #tpu.memory_space<vmem>> -> memref<1x128x128xf32, #tpu.memory_space<vmem>>
    %dma_wait3A_340 = tpu.memref_squeeze %dma_wait3A_339 : memref<1x128x128xf32, #tpu.memory_space<vmem>> -> memref<128x128xf32, #tpu.memory_space<vmem>>
    %dma_wait3A_341 = arith.constant 0 : i32
    %dma_wait3A_342 = tpu.memref_slice %arg4[%add3A_164, %dma_wait3A_341] : memref<32768x128xf32, #tpu.memory_space<hbm>> -> memref<128x128xf32, #tpu.memory_space<hbm>>
    %dma_wait3A_343 = tpu.memref_slice %arg8[%dma_wait3A_336] : memref<7x!tpu.dma_semaphore, #tpu.memory_space<semaphore_mem>> -> memref<1x!tpu.dma_semaphore, #tpu.memory_space<semaphore_mem>>
    %dma_wait3A_344 = tpu.memref_squeeze %dma_wait3A_343 : memref<1x!tpu.dma_semaphore, #tpu.memory_space<semaphore_mem>> -> memref<!tpu.dma_semaphore, #tpu.memory_space<semaphore_mem>>
    %dma_wait3A_345 = arith.constant 0 : i32
    %dma_wait3A_346 = tpu.memref_slice %arg4[%add3A_164, %dma_wait3A_345] : memref<32768x128xf32, #tpu.memory_space<hbm>> -> memref<128x128xf32, #tpu.memory_space<hbm>>
    %dma_wait3A_347 = arith.constant 0 : i32
    %dma_wait3A_348 = arith.constant 0 : i32
    %dma_wait3A_349 = tpu.memref_slice %arg6[%dma_wait3A_335, %dma_wait3A_347, %dma_wait3A_348] : memref<7x128x128xf32, #tpu.memory_space<vmem>> -> memref<1x128x128xf32, #tpu.memory_space<vmem>>
    %dma_wait3A_350 = tpu.memref_squeeze %dma_wait3A_349 : memref<1x128x128xf32, #tpu.memory_space<vmem>> -> memref<128x128xf32, #tpu.memory_space<vmem>>
    tpu.wait_dma2 semaphore(%dma_wait3A_344 : memref<!tpu.dma_semaphore, #tpu.memory_space<semaphore_mem>>) src(%dma_wait3A_350 : memref<128x128xf32, #tpu.memory_space<vmem>>) dst(%dma_wait3A_346 : memref<128x128xf32, #tpu.memory_space<hbm>>)
    %dma_start3A_351 = arith.constant 0 : i32
    %dma_start3A_352 = arith.constant 0 : i32
    %dma_start3A_353 = arith.constant 0 : i32
    %dma_start3A_354 = tpu.memref_slice %arg6[%dma_start3A_351, %dma_start3A_352, %dma_start3A_353] : memref<7x128x128xf32, #tpu.memory_space<vmem>> -> memref<1x128x128xf32, #tpu.memory_space<vmem>>
    %dma_start3A_355 = tpu.memref_squeeze %dma_start3A_354 : memref<1x128x128xf32, #tpu.memory_space<vmem>> -> memref<128x128xf32, #tpu.memory_space<vmem>>
    %dma_start3A_356 = arith.constant 896 : i32
    %dma_start3A_357 = tpu.memref_slice %arg5[%dma_start3A_356] : memref<1024xi32, #tpu.memory_space<vmem>> -> memref<128xi32, #tpu.memory_space<vmem>>
    %dma_start3A_358 = arith.constant 0 : i32
    %dma_start3A_359 = arith.constant 0 : i32
    %dma_start3A_360 = tpu.memref_slice %arg3[%select_n3A_162, %dma_start3A_358, %dma_start3A_359] : memref<32x100x128xf32, #tpu.memory_space<hbm>> -> memref<1x100x128xf32, #tpu.memory_space<hbm>>
    %dma_start3A_361 = tpu.memref_squeeze %dma_start3A_360 : memref<1x100x128xf32, #tpu.memory_space<hbm>> -> memref<100x128xf32, #tpu.memory_space<hbm>>
    %dma_start3A_362 = arith.constant 0 : i32
    %dma_start3A_363 = arith.constant 0 : i32
    %dma_start3A_364 = tpu.memref_slice %dma_start3A_361[%dma_start3A_362, %dma_start3A_363] : memref<100x128xf32, #tpu.memory_space<hbm>> -> memref<100x128xf32, #tpu.memory_space<hbm>>
    tpu.enqueue_indirect_dma source(%dma_start3A_364 : memref<100x128xf32, #tpu.memory_space<hbm>>) target(%dma_start3A_355 : memref<128x128xf32, #tpu.memory_space<vmem>>) offsets(%dma_start3A_357 : memref<128xi32, #tpu.memory_space<vmem>>) semaphore(%arg7 : memref<!tpu.dma_semaphore, #tpu.memory_space<semaphore_mem>>)
    %dma_wait3A_365 = arith.constant 2 : i32
    %dma_wait3A_366 = arith.constant 0 : i32
    %dma_wait3A_367 = arith.constant 0 : i32
    %dma_wait3A_368 = tpu.memref_slice %arg6[%dma_wait3A_365, %dma_wait3A_366, %dma_wait3A_367] : memref<7x128x128xf32, #tpu.memory_space<vmem>> -> memref<1x128x128xf32, #tpu.memory_space<vmem>>
    %dma_wait3A_369 = tpu.memref_squeeze %dma_wait3A_368 : memref<1x128x128xf32, #tpu.memory_space<vmem>> -> memref<128x128xf32, #tpu.memory_space<vmem>>
    %dma_wait3A_370 = arith.constant 256 : i32
    %dma_wait3A_371 = tpu.memref_slice %arg5[%dma_wait3A_370] : memref<1024xi32, #tpu.memory_space<vmem>> -> memref<128xi32, #tpu.memory_space<vmem>>
    %dma_wait3A_372 = arith.constant 0 : i32
    %dma_wait3A_373 = arith.constant 0 : i32
    %dma_wait3A_374 = tpu.memref_slice %arg3[%select_n3A_82, %dma_wait3A_372, %dma_wait3A_373] : memref<32x100x128xf32, #tpu.memory_space<hbm>> -> memref<1x100x128xf32, #tpu.memory_space<hbm>>
    %dma_wait3A_375 = tpu.memref_squeeze %dma_wait3A_374 : memref<1x100x128xf32, #tpu.memory_space<hbm>> -> memref<100x128xf32, #tpu.memory_space<hbm>>
    %dma_wait3A_376 = arith.constant 0 : i32
    %dma_wait3A_377 = arith.constant 0 : i32
    %dma_wait3A_378 = tpu.memref_slice %dma_wait3A_375[%dma_wait3A_376, %dma_wait3A_377] : memref<100x128xf32, #tpu.memory_space<hbm>> -> memref<100x128xf32, #tpu.memory_space<hbm>>
    tpu.wait_indirect_dma semaphore(%arg7 : memref<!tpu.dma_semaphore, #tpu.memory_space<semaphore_mem>>) src(%dma_wait3A_378 : memref<100x128xf32, #tpu.memory_space<hbm>>) dst(%dma_wait3A_369 : memref<128x128xf32, #tpu.memory_space<vmem>>)
    %dma_start3A_379 = arith.constant 2 : i32
    %dma_start3A_380 = arith.constant 2 : i32
    %dma_start3A_381 = arith.constant 0 : i32
    %dma_start3A_382 = arith.constant 0 : i32
    %dma_start3A_383 = tpu.memref_slice %arg6[%dma_start3A_379, %dma_start3A_381, %dma_start3A_382] : memref<7x128x128xf32, #tpu.memory_space<vmem>> -> memref<1x128x128xf32, #tpu.memory_space<vmem>>
    %dma_start3A_384 = tpu.memref_squeeze %dma_start3A_383 : memref<1x128x128xf32, #tpu.memory_space<vmem>> -> memref<128x128xf32, #tpu.memory_space<vmem>>
    %dma_start3A_385 = arith.constant 0 : i32
    %dma_start3A_386 = tpu.memref_slice %arg4[%add3A_168, %dma_start3A_385] : memref<32768x128xf32, #tpu.memory_space<hbm>> -> memref<128x128xf32, #tpu.memory_space<hbm>>
    %dma_start3A_387 = tpu.memref_slice %arg8[%dma_start3A_380] : memref<7x!tpu.dma_semaphore, #tpu.memory_space<semaphore_mem>> -> memref<1x!tpu.dma_semaphore, #tpu.memory_space<semaphore_mem>>
    %dma_start3A_388 = tpu.memref_squeeze %dma_start3A_387 : memref<1x!tpu.dma_semaphore, #tpu.memory_space<semaphore_mem>> -> memref<!tpu.dma_semaphore, #tpu.memory_space<semaphore_mem>>
    %dma_start3A_389 = arith.constant 0 : i32
    %dma_start3A_390 = tpu.memref_slice %arg4[%add3A_168, %dma_start3A_389] : memref<32768x128xf32, #tpu.memory_space<hbm>> -> memref<128x128xf32, #tpu.memory_space<hbm>>
    %dma_start3A_391 = arith.constant 0 : i32
    %dma_start3A_392 = arith.constant 0 : i32
    %dma_start3A_393 = tpu.memref_slice %arg6[%dma_start3A_379, %dma_start3A_391, %dma_start3A_392] : memref<7x128x128xf32, #tpu.memory_space<vmem>> -> memref<1x128x128xf32, #tpu.memory_space<vmem>>
    %dma_start3A_394 = tpu.memref_squeeze %dma_start3A_393 : memref<1x128x128xf32, #tpu.memory_space<vmem>> -> memref<128x128xf32, #tpu.memory_space<vmem>>
    tpu.enqueue_dma source(%dma_start3A_394 : memref<128x128xf32, #tpu.memory_space<vmem>>) target(%dma_start3A_390 : memref<128x128xf32, #tpu.memory_space<hbm>>) target_semaphore(%dma_start3A_388 : memref<!tpu.dma_semaphore, #tpu.memory_space<semaphore_mem>>)
    %dma_wait3A_395 = arith.constant 3 : i32
    %dma_wait3A_396 = arith.constant 0 : i32
    %dma_wait3A_397 = arith.constant 0 : i32
    %dma_wait3A_398 = tpu.memref_slice %arg6[%dma_wait3A_395, %dma_wait3A_396, %dma_wait3A_397] : memref<7x128x128xf32, #tpu.memory_space<vmem>> -> memref<1x128x128xf32, #tpu.memory_space<vmem>>
    %dma_wait3A_399 = tpu.memref_squeeze %dma_wait3A_398 : memref<1x128x128xf32, #tpu.memory_space<vmem>> -> memref<128x128xf32, #tpu.memory_space<vmem>>
    %dma_wait3A_400 = arith.constant 384 : i32
    %dma_wait3A_401 = tpu.memref_slice %arg5[%dma_wait3A_400] : memref<1024xi32, #tpu.memory_space<vmem>> -> memref<128xi32, #tpu.memory_space<vmem>>
    %dma_wait3A_402 = arith.constant 0 : i32
    %dma_wait3A_403 = arith.constant 0 : i32
    %dma_wait3A_404 = tpu.memref_slice %arg3[%select_n3A_98, %dma_wait3A_402, %dma_wait3A_403] : memref<32x100x128xf32, #tpu.memory_space<hbm>> -> memref<1x100x128xf32, #tpu.memory_space<hbm>>
    %dma_wait3A_405 = tpu.memref_squeeze %dma_wait3A_404 : memref<1x100x128xf32, #tpu.memory_space<hbm>> -> memref<100x128xf32, #tpu.memory_space<hbm>>
    %dma_wait3A_406 = arith.constant 0 : i32
    %dma_wait3A_407 = arith.constant 0 : i32
    %dma_wait3A_408 = tpu.memref_slice %dma_wait3A_405[%dma_wait3A_406, %dma_wait3A_407] : memref<100x128xf32, #tpu.memory_space<hbm>> -> memref<100x128xf32, #tpu.memory_space<hbm>>
    tpu.wait_indirect_dma semaphore(%arg7 : memref<!tpu.dma_semaphore, #tpu.memory_space<semaphore_mem>>) src(%dma_wait3A_408 : memref<100x128xf32, #tpu.memory_space<hbm>>) dst(%dma_wait3A_399 : memref<128x128xf32, #tpu.memory_space<vmem>>)
    %dma_start3A_409 = arith.constant 3 : i32
    %dma_start3A_410 = arith.constant 3 : i32
    %dma_start3A_411 = arith.constant 0 : i32
    %dma_start3A_412 = arith.constant 0 : i32
    %dma_start3A_413 = tpu.memref_slice %arg6[%dma_start3A_409, %dma_start3A_411, %dma_start3A_412] : memref<7x128x128xf32, #tpu.memory_space<vmem>> -> memref<1x128x128xf32, #tpu.memory_space<vmem>>
    %dma_start3A_414 = tpu.memref_squeeze %dma_start3A_413 : memref<1x128x128xf32, #tpu.memory_space<vmem>> -> memref<128x128xf32, #tpu.memory_space<vmem>>
    %dma_start3A_415 = arith.constant 0 : i32
    %dma_start3A_416 = tpu.memref_slice %arg4[%add3A_170, %dma_start3A_415] : memref<32768x128xf32, #tpu.memory_space<hbm>> -> memref<128x128xf32, #tpu.memory_space<hbm>>
    %dma_start3A_417 = tpu.memref_slice %arg8[%dma_start3A_410] : memref<7x!tpu.dma_semaphore, #tpu.memory_space<semaphore_mem>> -> memref<1x!tpu.dma_semaphore, #tpu.memory_space<semaphore_mem>>
    %dma_start3A_418 = tpu.memref_squeeze %dma_start3A_417 : memref<1x!tpu.dma_semaphore, #tpu.memory_space<semaphore_mem>> -> memref<!tpu.dma_semaphore, #tpu.memory_space<semaphore_mem>>
    %dma_start3A_419 = arith.constant 0 : i32
    %dma_start3A_420 = tpu.memref_slice %arg4[%add3A_170, %dma_start3A_419] : memref<32768x128xf32, #tpu.memory_space<hbm>> -> memref<128x128xf32, #tpu.memory_space<hbm>>
    %dma_start3A_421 = arith.constant 0 : i32
    %dma_start3A_422 = arith.constant 0 : i32
    %dma_start3A_423 = tpu.memref_slice %arg6[%dma_start3A_409, %dma_start3A_421, %dma_start3A_422] : memref<7x128x128xf32, #tpu.memory_space<vmem>> -> memref<1x128x128xf32, #tpu.memory_space<vmem>>
    %dma_start3A_424 = tpu.memref_squeeze %dma_start3A_423 : memref<1x128x128xf32, #tpu.memory_space<vmem>> -> memref<128x128xf32, #tpu.memory_space<vmem>>
    tpu.enqueue_dma source(%dma_start3A_424 : memref<128x128xf32, #tpu.memory_space<vmem>>) target(%dma_start3A_420 : memref<128x128xf32, #tpu.memory_space<hbm>>) target_semaphore(%dma_start3A_418 : memref<!tpu.dma_semaphore, #tpu.memory_space<semaphore_mem>>)
    %dma_wait3A_425 = arith.constant 4 : i32
    %dma_wait3A_426 = arith.constant 0 : i32
    %dma_wait3A_427 = arith.constant 0 : i32
    %dma_wait3A_428 = tpu.memref_slice %arg6[%dma_wait3A_425, %dma_wait3A_426, %dma_wait3A_427] : memref<7x128x128xf32, #tpu.memory_space<vmem>> -> memref<1x128x128xf32, #tpu.memory_space<vmem>>
    %dma_wait3A_429 = tpu.memref_squeeze %dma_wait3A_428 : memref<1x128x128xf32, #tpu.memory_space<vmem>> -> memref<128x128xf32, #tpu.memory_space<vmem>>
    %dma_wait3A_430 = arith.constant 512 : i32
    %dma_wait3A_431 = tpu.memref_slice %arg5[%dma_wait3A_430] : memref<1024xi32, #tpu.memory_space<vmem>> -> memref<128xi32, #tpu.memory_space<vmem>>
    %dma_wait3A_432 = arith.constant 0 : i32
    %dma_wait3A_433 = arith.constant 0 : i32
    %dma_wait3A_434 = tpu.memref_slice %arg3[%select_n3A_114, %dma_wait3A_432, %dma_wait3A_433] : memref<32x100x128xf32, #tpu.memory_space<hbm>> -> memref<1x100x128xf32, #tpu.memory_space<hbm>>
    %dma_wait3A_435 = tpu.memref_squeeze %dma_wait3A_434 : memref<1x100x128xf32, #tpu.memory_space<hbm>> -> memref<100x128xf32, #tpu.memory_space<hbm>>
    %dma_wait3A_436 = arith.constant 0 : i32
    %dma_wait3A_437 = arith.constant 0 : i32
    %dma_wait3A_438 = tpu.memref_slice %dma_wait3A_435[%dma_wait3A_436, %dma_wait3A_437] : memref<100x128xf32, #tpu.memory_space<hbm>> -> memref<100x128xf32, #tpu.memory_space<hbm>>
    tpu.wait_indirect_dma semaphore(%arg7 : memref<!tpu.dma_semaphore, #tpu.memory_space<semaphore_mem>>) src(%dma_wait3A_438 : memref<100x128xf32, #tpu.memory_space<hbm>>) dst(%dma_wait3A_429 : memref<128x128xf32, #tpu.memory_space<vmem>>)
    %dma_start3A_439 = arith.constant 4 : i32
    %dma_start3A_440 = arith.constant 4 : i32
    %dma_start3A_441 = arith.constant 0 : i32
    %dma_start3A_442 = arith.constant 0 : i32
    %dma_start3A_443 = tpu.memref_slice %arg6[%dma_start3A_439, %dma_start3A_441, %dma_start3A_442] : memref<7x128x128xf32, #tpu.memory_space<vmem>> -> memref<1x128x128xf32, #tpu.memory_space<vmem>>
    %dma_start3A_444 = tpu.memref_squeeze %dma_start3A_443 : memref<1x128x128xf32, #tpu.memory_space<vmem>> -> memref<128x128xf32, #tpu.memory_space<vmem>>
    %dma_start3A_445 = arith.constant 0 : i32
    %dma_start3A_446 = tpu.memref_slice %arg4[%add3A_172, %dma_start3A_445] : memref<32768x128xf32, #tpu.memory_space<hbm>> -> memref<128x128xf32, #tpu.memory_space<hbm>>
    %dma_start3A_447 = tpu.memref_slice %arg8[%dma_start3A_440] : memref<7x!tpu.dma_semaphore, #tpu.memory_space<semaphore_mem>> -> memref<1x!tpu.dma_semaphore, #tpu.memory_space<semaphore_mem>>
    %dma_start3A_448 = tpu.memref_squeeze %dma_start3A_447 : memref<1x!tpu.dma_semaphore, #tpu.memory_space<semaphore_mem>> -> memref<!tpu.dma_semaphore, #tpu.memory_space<semaphore_mem>>
    %dma_start3A_449 = arith.constant 0 : i32
    %dma_start3A_450 = tpu.memref_slice %arg4[%add3A_172, %dma_start3A_449] : memref<32768x128xf32, #tpu.memory_space<hbm>> -> memref<128x128xf32, #tpu.memory_space<hbm>>
    %dma_start3A_451 = arith.constant 0 : i32
    %dma_start3A_452 = arith.constant 0 : i32
    %dma_start3A_453 = tpu.memref_slice %arg6[%dma_start3A_439, %dma_start3A_451, %dma_start3A_452] : memref<7x128x128xf32, #tpu.memory_space<vmem>> -> memref<1x128x128xf32, #tpu.memory_space<vmem>>
    %dma_start3A_454 = tpu.memref_squeeze %dma_start3A_453 : memref<1x128x128xf32, #tpu.memory_space<vmem>> -> memref<128x128xf32, #tpu.memory_space<vmem>>
    tpu.enqueue_dma source(%dma_start3A_454 : memref<128x128xf32, #tpu.memory_space<vmem>>) target(%dma_start3A_450 : memref<128x128xf32, #tpu.memory_space<hbm>>) target_semaphore(%dma_start3A_448 : memref<!tpu.dma_semaphore, #tpu.memory_space<semaphore_mem>>)
    %dma_wait3A_455 = arith.constant 5 : i32
    %dma_wait3A_456 = arith.constant 0 : i32
    %dma_wait3A_457 = arith.constant 0 : i32
    %dma_wait3A_458 = tpu.memref_slice %arg6[%dma_wait3A_455, %dma_wait3A_456, %dma_wait3A_457] : memref<7x128x128xf32, #tpu.memory_space<vmem>> -> memref<1x128x128xf32, #tpu.memory_space<vmem>>
    %dma_wait3A_459 = tpu.memref_squeeze %dma_wait3A_458 : memref<1x128x128xf32, #tpu.memory_space<vmem>> -> memref<128x128xf32, #tpu.memory_space<vmem>>
    %dma_wait3A_460 = arith.constant 640 : i32
    %dma_wait3A_461 = tpu.memref_slice %arg5[%dma_wait3A_460] : memref<1024xi32, #tpu.memory_space<vmem>> -> memref<128xi32, #tpu.memory_space<vmem>>
    %dma_wait3A_462 = arith.constant 0 : i32
    %dma_wait3A_463 = arith.constant 0 : i32
    %dma_wait3A_464 = tpu.memref_slice %arg3[%select_n3A_130, %dma_wait3A_462, %dma_wait3A_463] : memref<32x100x128xf32, #tpu.memory_space<hbm>> -> memref<1x100x128xf32, #tpu.memory_space<hbm>>
    %dma_wait3A_465 = tpu.memref_squeeze %dma_wait3A_464 : memref<1x100x128xf32, #tpu.memory_space<hbm>> -> memref<100x128xf32, #tpu.memory_space<hbm>>
    %dma_wait3A_466 = arith.constant 0 : i32
    %dma_wait3A_467 = arith.constant 0 : i32
    %dma_wait3A_468 = tpu.memref_slice %dma_wait3A_465[%dma_wait3A_466, %dma_wait3A_467] : memref<100x128xf32, #tpu.memory_space<hbm>> -> memref<100x128xf32, #tpu.memory_space<hbm>>
    tpu.wait_indirect_dma semaphore(%arg7 : memref<!tpu.dma_semaphore, #tpu.memory_space<semaphore_mem>>) src(%dma_wait3A_468 : memref<100x128xf32, #tpu.memory_space<hbm>>) dst(%dma_wait3A_459 : memref<128x128xf32, #tpu.memory_space<vmem>>)
    %dma_start3A_469 = arith.constant 5 : i32
    %dma_start3A_470 = arith.constant 5 : i32
    %dma_start3A_471 = arith.constant 0 : i32
    %dma_start3A_472 = arith.constant 0 : i32
    %dma_start3A_473 = tpu.memref_slice %arg6[%dma_start3A_469, %dma_start3A_471, %dma_start3A_472] : memref<7x128x128xf32, #tpu.memory_space<vmem>> -> memref<1x128x128xf32, #tpu.memory_space<vmem>>
    %dma_start3A_474 = tpu.memref_squeeze %dma_start3A_473 : memref<1x128x128xf32, #tpu.memory_space<vmem>> -> memref<128x128xf32, #tpu.memory_space<vmem>>
    %dma_start3A_475 = arith.constant 0 : i32
    %dma_start3A_476 = tpu.memref_slice %arg4[%add3A_174, %dma_start3A_475] : memref<32768x128xf32, #tpu.memory_space<hbm>> -> memref<128x128xf32, #tpu.memory_space<hbm>>
    %dma_start3A_477 = tpu.memref_slice %arg8[%dma_start3A_470] : memref<7x!tpu.dma_semaphore, #tpu.memory_space<semaphore_mem>> -> memref<1x!tpu.dma_semaphore, #tpu.memory_space<semaphore_mem>>
    %dma_start3A_478 = tpu.memref_squeeze %dma_start3A_477 : memref<1x!tpu.dma_semaphore, #tpu.memory_space<semaphore_mem>> -> memref<!tpu.dma_semaphore, #tpu.memory_space<semaphore_mem>>
    %dma_start3A_479 = arith.constant 0 : i32
    %dma_start3A_480 = tpu.memref_slice %arg4[%add3A_174, %dma_start3A_479] : memref<32768x128xf32, #tpu.memory_space<hbm>> -> memref<128x128xf32, #tpu.memory_space<hbm>>
    %dma_start3A_481 = arith.constant 0 : i32
    %dma_start3A_482 = arith.constant 0 : i32
    %dma_start3A_483 = tpu.memref_slice %arg6[%dma_start3A_469, %dma_start3A_481, %dma_start3A_482] : memref<7x128x128xf32, #tpu.memory_space<vmem>> -> memref<1x128x128xf32, #tpu.memory_space<vmem>>
    %dma_start3A_484 = tpu.memref_squeeze %dma_start3A_483 : memref<1x128x128xf32, #tpu.memory_space<vmem>> -> memref<128x128xf32, #tpu.memory_space<vmem>>
    tpu.enqueue_dma source(%dma_start3A_484 : memref<128x128xf32, #tpu.memory_space<vmem>>) target(%dma_start3A_480 : memref<128x128xf32, #tpu.memory_space<hbm>>) target_semaphore(%dma_start3A_478 : memref<!tpu.dma_semaphore, #tpu.memory_space<semaphore_mem>>)
    %dma_wait3A_485 = arith.constant 6 : i32
    %dma_wait3A_486 = arith.constant 0 : i32
    %dma_wait3A_487 = arith.constant 0 : i32
    %dma_wait3A_488 = tpu.memref_slice %arg6[%dma_wait3A_485, %dma_wait3A_486, %dma_wait3A_487] : memref<7x128x128xf32, #tpu.memory_space<vmem>> -> memref<1x128x128xf32, #tpu.memory_space<vmem>>
    %dma_wait3A_489 = tpu.memref_squeeze %dma_wait3A_488 : memref<1x128x128xf32, #tpu.memory_space<vmem>> -> memref<128x128xf32, #tpu.memory_space<vmem>>
    %dma_wait3A_490 = arith.constant 768 : i32
    %dma_wait3A_491 = tpu.memref_slice %arg5[%dma_wait3A_490] : memref<1024xi32, #tpu.memory_space<vmem>> -> memref<128xi32, #tpu.memory_space<vmem>>
    %dma_wait3A_492 = arith.constant 0 : i32
    %dma_wait3A_493 = arith.constant 0 : i32
    %dma_wait3A_494 = tpu.memref_slice %arg3[%select_n3A_146, %dma_wait3A_492, %dma_wait3A_493] : memref<32x100x128xf32, #tpu.memory_space<hbm>> -> memref<1x100x128xf32, #tpu.memory_space<hbm>>
    %dma_wait3A_495 = tpu.memref_squeeze %dma_wait3A_494 : memref<1x100x128xf32, #tpu.memory_space<hbm>> -> memref<100x128xf32, #tpu.memory_space<hbm>>
    %dma_wait3A_496 = arith.constant 0 : i32
    %dma_wait3A_497 = arith.constant 0 : i32
    %dma_wait3A_498 = tpu.memref_slice %dma_wait3A_495[%dma_wait3A_496, %dma_wait3A_497] : memref<100x128xf32, #tpu.memory_space<hbm>> -> memref<100x128xf32, #tpu.memory_space<hbm>>
    tpu.wait_indirect_dma semaphore(%arg7 : memref<!tpu.dma_semaphore, #tpu.memory_space<semaphore_mem>>) src(%dma_wait3A_498 : memref<100x128xf32, #tpu.memory_space<hbm>>) dst(%dma_wait3A_489 : memref<128x128xf32, #tpu.memory_space<vmem>>)
    %dma_start3A_499 = arith.constant 6 : i32
    %dma_start3A_500 = arith.constant 6 : i32
    %dma_start3A_501 = arith.constant 0 : i32
    %dma_start3A_502 = arith.constant 0 : i32
    %dma_start3A_503 = tpu.memref_slice %arg6[%dma_start3A_499, %dma_start3A_501, %dma_start3A_502] : memref<7x128x128xf32, #tpu.memory_space<vmem>> -> memref<1x128x128xf32, #tpu.memory_space<vmem>>
    %dma_start3A_504 = tpu.memref_squeeze %dma_start3A_503 : memref<1x128x128xf32, #tpu.memory_space<vmem>> -> memref<128x128xf32, #tpu.memory_space<vmem>>
    %dma_start3A_505 = arith.constant 0 : i32
    %dma_start3A_506 = tpu.memref_slice %arg4[%add3A_176, %dma_start3A_505] : memref<32768x128xf32, #tpu.memory_space<hbm>> -> memref<128x128xf32, #tpu.memory_space<hbm>>
    %dma_start3A_507 = tpu.memref_slice %arg8[%dma_start3A_500] : memref<7x!tpu.dma_semaphore, #tpu.memory_space<semaphore_mem>> -> memref<1x!tpu.dma_semaphore, #tpu.memory_space<semaphore_mem>>
    %dma_start3A_508 = tpu.memref_squeeze %dma_start3A_507 : memref<1x!tpu.dma_semaphore, #tpu.memory_space<semaphore_mem>> -> memref<!tpu.dma_semaphore, #tpu.memory_space<semaphore_mem>>
    %dma_start3A_509 = arith.constant 0 : i32
    %dma_start3A_510 = tpu.memref_slice %arg4[%add3A_176, %dma_start3A_509] : memref<32768x128xf32, #tpu.memory_space<hbm>> -> memref<128x128xf32, #tpu.memory_space<hbm>>
    %dma_start3A_511 = arith.constant 0 : i32
    %dma_start3A_512 = arith.constant 0 : i32
    %dma_start3A_513 = tpu.memref_slice %arg6[%dma_start3A_499, %dma_start3A_511, %dma_start3A_512] : memref<7x128x128xf32, #tpu.memory_space<vmem>> -> memref<1x128x128xf32, #tpu.memory_space<vmem>>
    %dma_start3A_514 = tpu.memref_squeeze %dma_start3A_513 : memref<1x128x128xf32, #tpu.memory_space<vmem>> -> memref<128x128xf32, #tpu.memory_space<vmem>>
    tpu.enqueue_dma source(%dma_start3A_514 : memref<128x128xf32, #tpu.memory_space<vmem>>) target(%dma_start3A_510 : memref<128x128xf32, #tpu.memory_space<hbm>>) target_semaphore(%dma_start3A_508 : memref<!tpu.dma_semaphore, #tpu.memory_space<semaphore_mem>>)
    %dma_wait3A_515 = arith.constant 0 : i32
    %dma_wait3A_516 = arith.constant 0 : i32
    %dma_wait3A_517 = arith.constant 0 : i32
    %dma_wait3A_518 = tpu.memref_slice %arg6[%dma_wait3A_515, %dma_wait3A_516, %dma_wait3A_517] : memref<7x128x128xf32, #tpu.memory_space<vmem>> -> memref<1x128x128xf32, #tpu.memory_space<vmem>>
    %dma_wait3A_519 = tpu.memref_squeeze %dma_wait3A_518 : memref<1x128x128xf32, #tpu.memory_space<vmem>> -> memref<128x128xf32, #tpu.memory_space<vmem>>
    %dma_wait3A_520 = arith.constant 896 : i32
    %dma_wait3A_521 = tpu.memref_slice %arg5[%dma_wait3A_520] : memref<1024xi32, #tpu.memory_space<vmem>> -> memref<128xi32, #tpu.memory_space<vmem>>
    %dma_wait3A_522 = arith.constant 0 : i32
    %dma_wait3A_523 = arith.constant 0 : i32
    %dma_wait3A_524 = tpu.memref_slice %arg3[%select_n3A_162, %dma_wait3A_522, %dma_wait3A_523] : memref<32x100x128xf32, #tpu.memory_space<hbm>> -> memref<1x100x128xf32, #tpu.memory_space<hbm>>
    %dma_wait3A_525 = tpu.memref_squeeze %dma_wait3A_524 : memref<1x100x128xf32, #tpu.memory_space<hbm>> -> memref<100x128xf32, #tpu.memory_space<hbm>>
    %dma_wait3A_526 = arith.constant 0 : i32
    %dma_wait3A_527 = arith.constant 0 : i32
    %dma_wait3A_528 = tpu.memref_slice %dma_wait3A_525[%dma_wait3A_526, %dma_wait3A_527] : memref<100x128xf32, #tpu.memory_space<hbm>> -> memref<100x128xf32, #tpu.memory_space<hbm>>
    tpu.wait_indirect_dma semaphore(%arg7 : memref<!tpu.dma_semaphore, #tpu.memory_space<semaphore_mem>>) src(%dma_wait3A_528 : memref<100x128xf32, #tpu.memory_space<hbm>>) dst(%dma_wait3A_519 : memref<128x128xf32, #tpu.memory_space<vmem>>)
    %dma_start3A_529 = arith.constant 0 : i32
    %dma_start3A_530 = arith.constant 0 : i32
    %dma_start3A_531 = arith.constant 0 : i32
    %dma_start3A_532 = arith.constant 0 : i32
    %dma_start3A_533 = tpu.memref_slice %arg6[%dma_start3A_529, %dma_start3A_531, %dma_start3A_532] : memref<7x128x128xf32, #tpu.memory_space<vmem>> -> memref<1x128x128xf32, #tpu.memory_space<vmem>>
    %dma_start3A_534 = tpu.memref_squeeze %dma_start3A_533 : memref<1x128x128xf32, #tpu.memory_space<vmem>> -> memref<128x128xf32, #tpu.memory_space<vmem>>
    %dma_start3A_535 = arith.constant 0 : i32
    %dma_start3A_536 = tpu.memref_slice %arg4[%add3A_178, %dma_start3A_535] : memref<32768x128xf32, #tpu.memory_space<hbm>> -> memref<128x128xf32, #tpu.memory_space<hbm>>
    %dma_start3A_537 = tpu.memref_slice %arg8[%dma_start3A_530] : memref<7x!tpu.dma_semaphore, #tpu.memory_space<semaphore_mem>> -> memref<1x!tpu.dma_semaphore, #tpu.memory_space<semaphore_mem>>
    %dma_start3A_538 = tpu.memref_squeeze %dma_start3A_537 : memref<1x!tpu.dma_semaphore, #tpu.memory_space<semaphore_mem>> -> memref<!tpu.dma_semaphore, #tpu.memory_space<semaphore_mem>>
    %dma_start3A_539 = arith.constant 0 : i32
    %dma_start3A_540 = tpu.memref_slice %arg4[%add3A_178, %dma_start3A_539] : memref<32768x128xf32, #tpu.memory_space<hbm>> -> memref<128x128xf32, #tpu.memory_space<hbm>>
    %dma_start3A_541 = arith.constant 0 : i32
    %dma_start3A_542 = arith.constant 0 : i32
    %dma_start3A_543 = tpu.memref_slice %arg6[%dma_start3A_529, %dma_start3A_541, %dma_start3A_542] : memref<7x128x128xf32, #tpu.memory_space<vmem>> -> memref<1x128x128xf32, #tpu.memory_space<vmem>>
    %dma_start3A_544 = tpu.memref_squeeze %dma_start3A_543 : memref<1x128x128xf32, #tpu.memory_space<vmem>> -> memref<128x128xf32, #tpu.memory_space<vmem>>
    tpu.enqueue_dma source(%dma_start3A_544 : memref<128x128xf32, #tpu.memory_space<vmem>>) target(%dma_start3A_540 : memref<128x128xf32, #tpu.memory_space<hbm>>) target_semaphore(%dma_start3A_538 : memref<!tpu.dma_semaphore, #tpu.memory_space<semaphore_mem>>)
    %dma_wait3A_545 = arith.constant 1 : i32
    %dma_wait3A_546 = arith.constant 1 : i32
    %dma_wait3A_547 = arith.constant 0 : i32
    %dma_wait3A_548 = arith.constant 0 : i32
    %dma_wait3A_549 = tpu.memref_slice %arg6[%dma_wait3A_545, %dma_wait3A_547, %dma_wait3A_548] : memref<7x128x128xf32, #tpu.memory_space<vmem>> -> memref<1x128x128xf32, #tpu.memory_space<vmem>>
    %dma_wait3A_550 = tpu.memref_squeeze %dma_wait3A_549 : memref<1x128x128xf32, #tpu.memory_space<vmem>> -> memref<128x128xf32, #tpu.memory_space<vmem>>
    %dma_wait3A_551 = arith.constant 0 : i32
    %dma_wait3A_552 = tpu.memref_slice %arg4[%add3A_166, %dma_wait3A_551] : memref<32768x128xf32, #tpu.memory_space<hbm>> -> memref<128x128xf32, #tpu.memory_space<hbm>>
    %dma_wait3A_553 = tpu.memref_slice %arg8[%dma_wait3A_546] : memref<7x!tpu.dma_semaphore, #tpu.memory_space<semaphore_mem>> -> memref<1x!tpu.dma_semaphore, #tpu.memory_space<semaphore_mem>>
    %dma_wait3A_554 = tpu.memref_squeeze %dma_wait3A_553 : memref<1x!tpu.dma_semaphore, #tpu.memory_space<semaphore_mem>> -> memref<!tpu.dma_semaphore, #tpu.memory_space<semaphore_mem>>
    %dma_wait3A_555 = arith.constant 0 : i32
    %dma_wait3A_556 = tpu.memref_slice %arg4[%add3A_166, %dma_wait3A_555] : memref<32768x128xf32, #tpu.memory_space<hbm>> -> memref<128x128xf32, #tpu.memory_space<hbm>>
    %dma_wait3A_557 = arith.constant 0 : i32
    %dma_wait3A_558 = arith.constant 0 : i32
    %dma_wait3A_559 = tpu.memref_slice %arg6[%dma_wait3A_545, %dma_wait3A_557, %dma_wait3A_558] : memref<7x128x128xf32, #tpu.memory_space<vmem>> -> memref<1x128x128xf32, #tpu.memory_space<vmem>>
    %dma_wait3A_560 = tpu.memref_squeeze %dma_wait3A_559 : memref<1x128x128xf32, #tpu.memory_space<vmem>> -> memref<128x128xf32, #tpu.memory_space<vmem>>
    tpu.wait_dma2 semaphore(%dma_wait3A_554 : memref<!tpu.dma_semaphore, #tpu.memory_space<semaphore_mem>>) src(%dma_wait3A_560 : memref<128x128xf32, #tpu.memory_space<vmem>>) dst(%dma_wait3A_556 : memref<128x128xf32, #tpu.memory_space<hbm>>)
    %dma_wait3A_561 = arith.constant 2 : i32
    %dma_wait3A_562 = arith.constant 2 : i32
    %dma_wait3A_563 = arith.constant 0 : i32
    %dma_wait3A_564 = arith.constant 0 : i32
    %dma_wait3A_565 = tpu.memref_slice %arg6[%dma_wait3A_561, %dma_wait3A_563, %dma_wait3A_564] : memref<7x128x128xf32, #tpu.memory_space<vmem>> -> memref<1x128x128xf32, #tpu.memory_space<vmem>>
    %dma_wait3A_566 = tpu.memref_squeeze %dma_wait3A_565 : memref<1x128x128xf32, #tpu.memory_space<vmem>> -> memref<128x128xf32, #tpu.memory_space<vmem>>
    %dma_wait3A_567 = arith.constant 0 : i32
    %dma_wait3A_568 = tpu.memref_slice %arg4[%add3A_168, %dma_wait3A_567] : memref<32768x128xf32, #tpu.memory_space<hbm>> -> memref<128x128xf32, #tpu.memory_space<hbm>>
    %dma_wait3A_569 = tpu.memref_slice %arg8[%dma_wait3A_562] : memref<7x!tpu.dma_semaphore, #tpu.memory_space<semaphore_mem>> -> memref<1x!tpu.dma_semaphore, #tpu.memory_space<semaphore_mem>>
    %dma_wait3A_570 = tpu.memref_squeeze %dma_wait3A_569 : memref<1x!tpu.dma_semaphore, #tpu.memory_space<semaphore_mem>> -> memref<!tpu.dma_semaphore, #tpu.memory_space<semaphore_mem>>
    %dma_wait3A_571 = arith.constant 0 : i32
    %dma_wait3A_572 = tpu.memref_slice %arg4[%add3A_168, %dma_wait3A_571] : memref<32768x128xf32, #tpu.memory_space<hbm>> -> memref<128x128xf32, #tpu.memory_space<hbm>>
    %dma_wait3A_573 = arith.constant 0 : i32
    %dma_wait3A_574 = arith.constant 0 : i32
    %dma_wait3A_575 = tpu.memref_slice %arg6[%dma_wait3A_561, %dma_wait3A_573, %dma_wait3A_574] : memref<7x128x128xf32, #tpu.memory_space<vmem>> -> memref<1x128x128xf32, #tpu.memory_space<vmem>>
    %dma_wait3A_576 = tpu.memref_squeeze %dma_wait3A_575 : memref<1x128x128xf32, #tpu.memory_space<vmem>> -> memref<128x128xf32, #tpu.memory_space<vmem>>
    tpu.wait_dma2 semaphore(%dma_wait3A_570 : memref<!tpu.dma_semaphore, #tpu.memory_space<semaphore_mem>>) src(%dma_wait3A_576 : memref<128x128xf32, #tpu.memory_space<vmem>>) dst(%dma_wait3A_572 : memref<128x128xf32, #tpu.memory_space<hbm>>)
    %dma_wait3A_577 = arith.constant 3 : i32
    %dma_wait3A_578 = arith.constant 3 : i32
    %dma_wait3A_579 = arith.constant 0 : i32
    %dma_wait3A_580 = arith.constant 0 : i32
    %dma_wait3A_581 = tpu.memref_slice %arg6[%dma_wait3A_577, %dma_wait3A_579, %dma_wait3A_580] : memref<7x128x128xf32, #tpu.memory_space<vmem>> -> memref<1x128x128xf32, #tpu.memory_space<vmem>>
    %dma_wait3A_582 = tpu.memref_squeeze %dma_wait3A_581 : memref<1x128x128xf32, #tpu.memory_space<vmem>> -> memref<128x128xf32, #tpu.memory_space<vmem>>
    %dma_wait3A_583 = arith.constant 0 : i32
    %dma_wait3A_584 = tpu.memref_slice %arg4[%add3A_170, %dma_wait3A_583] : memref<32768x128xf32, #tpu.memory_space<hbm>> -> memref<128x128xf32, #tpu.memory_space<hbm>>
    %dma_wait3A_585 = tpu.memref_slice %arg8[%dma_wait3A_578] : memref<7x!tpu.dma_semaphore, #tpu.memory_space<semaphore_mem>> -> memref<1x!tpu.dma_semaphore, #tpu.memory_space<semaphore_mem>>
    %dma_wait3A_586 = tpu.memref_squeeze %dma_wait3A_585 : memref<1x!tpu.dma_semaphore, #tpu.memory_space<semaphore_mem>> -> memref<!tpu.dma_semaphore, #tpu.memory_space<semaphore_mem>>
    %dma_wait3A_587 = arith.constant 0 : i32
    %dma_wait3A_588 = tpu.memref_slice %arg4[%add3A_170, %dma_wait3A_587] : memref<32768x128xf32, #tpu.memory_space<hbm>> -> memref<128x128xf32, #tpu.memory_space<hbm>>
    %dma_wait3A_589 = arith.constant 0 : i32
    %dma_wait3A_590 = arith.constant 0 : i32
    %dma_wait3A_591 = tpu.memref_slice %arg6[%dma_wait3A_577, %dma_wait3A_589, %dma_wait3A_590] : memref<7x128x128xf32, #tpu.memory_space<vmem>> -> memref<1x128x128xf32, #tpu.memory_space<vmem>>
    %dma_wait3A_592 = tpu.memref_squeeze %dma_wait3A_591 : memref<1x128x128xf32, #tpu.memory_space<vmem>> -> memref<128x128xf32, #tpu.memory_space<vmem>>
    tpu.wait_dma2 semaphore(%dma_wait3A_586 : memref<!tpu.dma_semaphore, #tpu.memory_space<semaphore_mem>>) src(%dma_wait3A_592 : memref<128x128xf32, #tpu.memory_space<vmem>>) dst(%dma_wait3A_588 : memref<128x128xf32, #tpu.memory_space<hbm>>)
    %dma_wait3A_593 = arith.constant 4 : i32
    %dma_wait3A_594 = arith.constant 4 : i32
    %dma_wait3A_595 = arith.constant 0 : i32
    %dma_wait3A_596 = arith.constant 0 : i32
    %dma_wait3A_597 = tpu.memref_slice %arg6[%dma_wait3A_593, %dma_wait3A_595, %dma_wait3A_596] : memref<7x128x128xf32, #tpu.memory_space<vmem>> -> memref<1x128x128xf32, #tpu.memory_space<vmem>>
    %dma_wait3A_598 = tpu.memref_squeeze %dma_wait3A_597 : memref<1x128x128xf32, #tpu.memory_space<vmem>> -> memref<128x128xf32, #tpu.memory_space<vmem>>
    %dma_wait3A_599 = arith.constant 0 : i32
    %dma_wait3A_600 = tpu.memref_slice %arg4[%add3A_172, %dma_wait3A_599] : memref<32768x128xf32, #tpu.memory_space<hbm>> -> memref<128x128xf32, #tpu.memory_space<hbm>>
    %dma_wait3A_601 = tpu.memref_slice %arg8[%dma_wait3A_594] : memref<7x!tpu.dma_semaphore, #tpu.memory_space<semaphore_mem>> -> memref<1x!tpu.dma_semaphore, #tpu.memory_space<semaphore_mem>>
    %dma_wait3A_602 = tpu.memref_squeeze %dma_wait3A_601 : memref<1x!tpu.dma_semaphore, #tpu.memory_space<semaphore_mem>> -> memref<!tpu.dma_semaphore, #tpu.memory_space<semaphore_mem>>
    %dma_wait3A_603 = arith.constant 0 : i32
    %dma_wait3A_604 = tpu.memref_slice %arg4[%add3A_172, %dma_wait3A_603] : memref<32768x128xf32, #tpu.memory_space<hbm>> -> memref<128x128xf32, #tpu.memory_space<hbm>>
    %dma_wait3A_605 = arith.constant 0 : i32
    %dma_wait3A_606 = arith.constant 0 : i32
    %dma_wait3A_607 = tpu.memref_slice %arg6[%dma_wait3A_593, %dma_wait3A_605, %dma_wait3A_606] : memref<7x128x128xf32, #tpu.memory_space<vmem>> -> memref<1x128x128xf32, #tpu.memory_space<vmem>>
    %dma_wait3A_608 = tpu.memref_squeeze %dma_wait3A_607 : memref<1x128x128xf32, #tpu.memory_space<vmem>> -> memref<128x128xf32, #tpu.memory_space<vmem>>
    tpu.wait_dma2 semaphore(%dma_wait3A_602 : memref<!tpu.dma_semaphore, #tpu.memory_space<semaphore_mem>>) src(%dma_wait3A_608 : memref<128x128xf32, #tpu.memory_space<vmem>>) dst(%dma_wait3A_604 : memref<128x128xf32, #tpu.memory_space<hbm>>)
    %dma_wait3A_609 = arith.constant 5 : i32
    %dma_wait3A_610 = arith.constant 5 : i32
    %dma_wait3A_611 = arith.constant 0 : i32
    %dma_wait3A_612 = arith.constant 0 : i32
    %dma_wait3A_613 = tpu.memref_slice %arg6[%dma_wait3A_609, %dma_wait3A_611, %dma_wait3A_612] : memref<7x128x128xf32, #tpu.memory_space<vmem>> -> memref<1x128x128xf32, #tpu.memory_space<vmem>>
    %dma_wait3A_614 = tpu.memref_squeeze %dma_wait3A_613 : memref<1x128x128xf32, #tpu.memory_space<vmem>> -> memref<128x128xf32, #tpu.memory_space<vmem>>
    %dma_wait3A_615 = arith.constant 0 : i32
    %dma_wait3A_616 = tpu.memref_slice %arg4[%add3A_174, %dma_wait3A_615] : memref<32768x128xf32, #tpu.memory_space<hbm>> -> memref<128x128xf32, #tpu.memory_space<hbm>>
    %dma_wait3A_617 = tpu.memref_slice %arg8[%dma_wait3A_610] : memref<7x!tpu.dma_semaphore, #tpu.memory_space<semaphore_mem>> -> memref<1x!tpu.dma_semaphore, #tpu.memory_space<semaphore_mem>>
    %dma_wait3A_618 = tpu.memref_squeeze %dma_wait3A_617 : memref<1x!tpu.dma_semaphore, #tpu.memory_space<semaphore_mem>> -> memref<!tpu.dma_semaphore, #tpu.memory_space<semaphore_mem>>
    %dma_wait3A_619 = arith.constant 0 : i32
    %dma_wait3A_620 = tpu.memref_slice %arg4[%add3A_174, %dma_wait3A_619] : memref<32768x128xf32, #tpu.memory_space<hbm>> -> memref<128x128xf32, #tpu.memory_space<hbm>>
    %dma_wait3A_621 = arith.constant 0 : i32
    %dma_wait3A_622 = arith.constant 0 : i32
    %dma_wait3A_623 = tpu.memref_slice %arg6[%dma_wait3A_609, %dma_wait3A_621, %dma_wait3A_622] : memref<7x128x128xf32, #tpu.memory_space<vmem>> -> memref<1x128x128xf32, #tpu.memory_space<vmem>>
    %dma_wait3A_624 = tpu.memref_squeeze %dma_wait3A_623 : memref<1x128x128xf32, #tpu.memory_space<vmem>> -> memref<128x128xf32, #tpu.memory_space<vmem>>
    tpu.wait_dma2 semaphore(%dma_wait3A_618 : memref<!tpu.dma_semaphore, #tpu.memory_space<semaphore_mem>>) src(%dma_wait3A_624 : memref<128x128xf32, #tpu.memory_space<vmem>>) dst(%dma_wait3A_620 : memref<128x128xf32, #tpu.memory_space<hbm>>)
    %dma_wait3A_625 = arith.constant 6 : i32
    %dma_wait3A_626 = arith.constant 6 : i32
    %dma_wait3A_627 = arith.constant 0 : i32
    %dma_wait3A_628 = arith.constant 0 : i32
    %dma_wait3A_629 = tpu.memref_slice %arg6[%dma_wait3A_625, %dma_wait3A_627, %dma_wait3A_628] : memref<7x128x128xf32, #tpu.memory_space<vmem>> -> memref<1x128x128xf32, #tpu.memory_space<vmem>>
    %dma_wait3A_630 = tpu.memref_squeeze %dma_wait3A_629 : memref<1x128x128xf32, #tpu.memory_space<vmem>> -> memref<128x128xf32, #tpu.memory_space<vmem>>
    %dma_wait3A_631 = arith.constant 0 : i32
    %dma_wait3A_632 = tpu.memref_slice %arg4[%add3A_176, %dma_wait3A_631] : memref<32768x128xf32, #tpu.memory_space<hbm>> -> memref<128x128xf32, #tpu.memory_space<hbm>>
    %dma_wait3A_633 = tpu.memref_slice %arg8[%dma_wait3A_626] : memref<7x!tpu.dma_semaphore, #tpu.memory_space<semaphore_mem>> -> memref<1x!tpu.dma_semaphore, #tpu.memory_space<semaphore_mem>>
    %dma_wait3A_634 = tpu.memref_squeeze %dma_wait3A_633 : memref<1x!tpu.dma_semaphore, #tpu.memory_space<semaphore_mem>> -> memref<!tpu.dma_semaphore, #tpu.memory_space<semaphore_mem>>
    %dma_wait3A_635 = arith.constant 0 : i32
    %dma_wait3A_636 = tpu.memref_slice %arg4[%add3A_176, %dma_wait3A_635] : memref<32768x128xf32, #tpu.memory_space<hbm>> -> memref<128x128xf32, #tpu.memory_space<hbm>>
    %dma_wait3A_637 = arith.constant 0 : i32
    %dma_wait3A_638 = arith.constant 0 : i32
    %dma_wait3A_639 = tpu.memref_slice %arg6[%dma_wait3A_625, %dma_wait3A_637, %dma_wait3A_638] : memref<7x128x128xf32, #tpu.memory_space<vmem>> -> memref<1x128x128xf32, #tpu.memory_space<vmem>>
    %dma_wait3A_640 = tpu.memref_squeeze %dma_wait3A_639 : memref<1x128x128xf32, #tpu.memory_space<vmem>> -> memref<128x128xf32, #tpu.memory_space<vmem>>
    tpu.wait_dma2 semaphore(%dma_wait3A_634 : memref<!tpu.dma_semaphore, #tpu.memory_space<semaphore_mem>>) src(%dma_wait3A_640 : memref<128x128xf32, #tpu.memory_space<vmem>>) dst(%dma_wait3A_636 : memref<128x128xf32, #tpu.memory_space<hbm>>)
    %dma_wait3A_641 = arith.constant 0 : i32
    %dma_wait3A_642 = arith.constant 0 : i32
    %dma_wait3A_643 = arith.constant 0 : i32
    %dma_wait3A_644 = arith.constant 0 : i32
    %dma_wait3A_645 = tpu.memref_slice %arg6[%dma_wait3A_641, %dma_wait3A_643, %dma_wait3A_644] : memref<7x128x128xf32, #tpu.memory_space<vmem>> -> memref<1x128x128xf32, #tpu.memory_space<vmem>>
    %dma_wait3A_646 = tpu.memref_squeeze %dma_wait3A_645 : memref<1x128x128xf32, #tpu.memory_space<vmem>> -> memref<128x128xf32, #tpu.memory_space<vmem>>
    %dma_wait3A_647 = arith.constant 0 : i32
    %dma_wait3A_648 = tpu.memref_slice %arg4[%add3A_178, %dma_wait3A_647] : memref<32768x128xf32, #tpu.memory_space<hbm>> -> memref<128x128xf32, #tpu.memory_space<hbm>>
    %dma_wait3A_649 = tpu.memref_slice %arg8[%dma_wait3A_642] : memref<7x!tpu.dma_semaphore, #tpu.memory_space<semaphore_mem>> -> memref<1x!tpu.dma_semaphore, #tpu.memory_space<semaphore_mem>>
    %dma_wait3A_650 = tpu.memref_squeeze %dma_wait3A_649 : memref<1x!tpu.dma_semaphore, #tpu.memory_space<semaphore_mem>> -> memref<!tpu.dma_semaphore, #tpu.memory_space<semaphore_mem>>
    %dma_wait3A_651 = arith.constant 0 : i32
    %dma_wait3A_652 = tpu.memref_slice %arg4[%add3A_178, %dma_wait3A_651] : memref<32768x128xf32, #tpu.memory_space<hbm>> -> memref<128x128xf32, #tpu.memory_space<hbm>>
    %dma_wait3A_653 = arith.constant 0 : i32
    %dma_wait3A_654 = arith.constant 0 : i32
    %dma_wait3A_655 = tpu.memref_slice %arg6[%dma_wait3A_641, %dma_wait3A_653, %dma_wait3A_654] : memref<7x128x128xf32, #tpu.memory_space<vmem>> -> memref<1x128x128xf32, #tpu.memory_space<vmem>>
    %dma_wait3A_656 = tpu.memref_squeeze %dma_wait3A_655 : memref<1x128x128xf32, #tpu.memory_space<vmem>> -> memref<128x128xf32, #tpu.memory_space<vmem>>
    tpu.wait_dma2 semaphore(%dma_wait3A_650 : memref<!tpu.dma_semaphore, #tpu.memory_space<semaphore_mem>>) src(%dma_wait3A_656 : memref<128x128xf32, #tpu.memory_space<vmem>>) dst(%dma_wait3A_652 : memref<128x128xf32, #tpu.memory_space<hbm>>)
    return
  }
}

</mosaic_0001>

<sc_bundles>
// kernel: _sc_phone.3.cloned.1.call-start
scs
__scs_entry_jumppad:
0x0: {  	(pc) =	sbr.rel $0x88, $3  }
0x1: {  	(tag) =	ssettag $0x0;
	lr =	simm.s32 $0x1  }
0x2: {  	[smem:$0x3F9F] =	sst lr;
	_ =	strace $0xD0000000  }
0x3: {  	_ = 	snop  }
0x4: {  	_ = 	snop  }
0x5: {  	_ = 	snop  }
0x6: {  	_ = 	snop  }
0x7: {  	_ = 	snop  }
__scs_overlays_trampoline_lowered:
0x8: {  	[smem:$0x3FAE] =	sst s0  }
0x9: {  	[smem:$0x3FAF] =	sst s1  }
0xa: {  	[smem:$0x3FB0] =	sst s2  }
0xb: {  	[smem:$0x3FB1] =	sst s3  }
0xc: {  	[smem:$0x3FB2] =	sst s4  }
0xd: {  	[smem:$0x3FB3] =	sst s5  }
0xe: {  	[smem:$0x3FB4] =	sst s6  }
0xf: {  	[smem:$0x3FB5] =	sst s7  }
0x10: {  	[smem:$0x3FB6] =	sst s8  }
0x11: {  	[smem:$0x3FB7] =	sst s9;
	s0 =	simm.s32 @!p0 $0x0  }
0x12: {  	s1 =	sld [smem:$0x3F9D];
	s0 =	simm.s32 @p0 $0x1  }
0x13: {  	[smem:$0x3FB8] =	sst s0;
	s0 =	simm.s32 @!p1 $0x0  }
0x14: {  	s2 =	sld [smem:$0x3F9C];
	s0 =	simm.s32 @p1 $0x1  }
0x15: {  	[smem:$0x3FB9] =	sst s0;
	s0 =	simm.s32 @!p2 $0x0  }
0x16: {  	s3 =	sld [smem:$0x3FDB];
	s0 =	simm.s32 @p2 $0x1  }
0x17: {  	s4 =	simm.s32 $0x1BF5;
	[smem:$0x3FBB] =	sst s0  }
0x18: {  	s0 =	sld [smem:$0x3F9E];
	_ =	swait.ge [sflag:s4], $0x0  }
0x19: {  	s7 =	sld [smem:$0x3F9F]  }
0x1a: {  	s8 =	sadd.s32 $0xFFFFE003, lr  }
0x1b: {  	s9 =	sadd.s32 $0xFFFFFEF7, lr;
	s5 =	simm.s32 $0xFFFFFFFF;
	p2 =	slt.u32 s8, $0xFFFFF086  }
0x1c: {  	p1 =	slt.u32 s9, $0xF7A;
	s5 =	simm.s32 @!p2 $0x0  }
0x1d: {  	s5 =	simm.s32 @p1 $0x1;
	p0 =	seq.s32 s7, s2  }
0x1e: {  	s7 =	smul.u32 @!p0 $0xF7A, s2;
	p2 =	seq.s32 @!p0 s5, $0x0  }
0x1f: {  	s9 =	smul.u32 $0xF7A, s1;
	s8 =	simm.s32 @!p0 $0x1BF5;
	p2 =	por !p2, p0  }
0x20: {  	[sflag:s8] =	ssyncset.s32 @!p0 $0xFFFFF086;
	s6 =	sadd.s32 @!p0 s3, s7;
	s7 =	simm.s32 @!p0 $0x108  }
0x21: {  	s3 =	sadd.s32 s3, s9;
	s6 =	sadd.s32 @!p0 $0x88, s6;
	s7 =	simm.s32 @p2 $0x1082  }
0x22: {  	[simem:s7], [sflag:s8] =	dma.local @!p0 [hbm:s6], $0xF7A  }
0x23: {  	s9 =	sor.u32 $0xD0000000, s2;
	s6 =	simm.s32 $0x108;
	_ =	swait.ge @!p0 [sflag:s8], $0x0  }
0x24: {  	s3 =	sadd.s32 $0x88, s3;
	s6 =	simm.s32 @!p1 $0x1082;
	[sflag:s4] =	ssyncset.s32 $0xFFFFF086  }
0x25: {  	[simem:s6], [sflag:s4] =	dma.local [hbm:s3], $0xF7A  }
0x26: {  	[smem:$0x3F9F] =	sst s1;
	(tag) =	ssettag s2;
	_ =	strace s9  }
0x27: {  	s1 =	sld [smem:$0x3FAF]  }
0x28: {  	s2 =	sld [smem:$0x3FB0]  }
0x29: {  	s4 =	sld [smem:$0x3FB2]  }
0x2a: {  	p0 =	seq.s32 s5, $0x0;
	s5 =	sld [smem:$0x3FB3]  }
0x2b: {  	s6 =	sld [smem:$0x3FB4]  }
0x2c: {  	s7 =	sld [smem:$0x3FB5]  }
0x2d: {  	s3 =	simm.s32 $0x108;
	s8 =	sld [smem:$0x3FB6]  }
0x2e: {  	s3 =	simm.s32 @!p0 $0x1082;
	s9 =	sld [smem:$0x3FB7]  }
0x2f: {  	lr =	sadd.s32 s0, s3;
	s0 =	sld [smem:$0x3FAE]  }
0x30: {  	s3 =	sld [smem:$0x3FB1]  }
0x31: {  	[smem:$0x3FBA] =	sst s10  }
0x32: {  	s10 =	sld [smem:$0x3FB8];
	_ =	sdelay $0x3  }
0x33: {  	p0 =	seq.s32 s10, $0x1;
	s10 =	sld [smem:$0x3FBA];
	_ =	sdelay $0x3  }
0x34: {  	[smem:$0x3FBA] =	sst s10  }
0x35: {  	s10 =	sld [smem:$0x3FB9];
	_ =	sdelay $0x3  }
0x36: {  	p1 =	seq.s32 s10, $0x1;
	s10 =	sld [smem:$0x3FBA];
	_ =	sdelay $0x3  }
0x37: {  	[smem:$0x3FBA] =	sst s10  }
0x38: {  	s10 =	sld [smem:$0x3FBB]  }
0x39: {  	_ = 	snop;
	(pc) =	sbr.ind lr, $3  }
0x3a: {  	_ = 	snop  }
0x3b: {  	_ = 	snop  }
0x3c: {  	p2 =	seq.s32 s10, $0x1;
	s10 =	sld [smem:$0x3FBA]  }
0x3d: {  	_ =	shalt  }
0x3e: {  	_ =	shalt  }
0x3f: {  	_ =	shalt  }
0x40: {  	_ =	shalt  }
0x41: {  	_ =	shalt  }
0x42: {  	_ =	shalt  }
0x43: {  	_ =	shalt  }
0x44: {  	_ =	shalt  }
0x45: {  	_ =	shalt  }
0x46: {  	_ =	shalt  }
0x47: {  	_ =	shalt  }
0x48: {  	_ =	shalt  }
0x49: {  	_ =	shalt  }
0x4a: {  	_ =	shalt  }
0x4b: {  	_ =	shalt  }
0x4c: {  	_ =	shalt  }
0x4d: {  	_ =	shalt  }
0x4e: {  	_ =	shalt  }
0x4f: {  	_ =	shalt  }
0x50: {  	_ =	shalt  }
0x51: {  	_ =	shalt  }
0x52: {  	_ =	shalt  }
0x53: {  	_ =	shalt  }
0x54: {  	_ =	shalt  }
0x55: {  	_ =	shalt  }
0x56: {  	_ =	shalt  }
0x57: {  	_ =	shalt  }
0x58: {  	_ =	shalt  }
0x59: {  	_ =	shalt  }
0x5a: {  	_ =	shalt  }
0x5b: {  	_ =	shalt  }
0x5c: {  	_ =	shalt  }
0x5d: {  	_ =	shalt  }
0x5e: {  	_ =	shalt  }
0x5f: {  	_ =	shalt  }
0x60: {  	_ =	shalt  }
0x61: {  	_ =	shalt  }
0x62: {  	_ =	shalt  }
0x63: {  	_ =	shalt  }
0x64: {  	_ =	shalt  }
0x65: {  	_ =	shalt  }
0x66: {  	_ =	shalt  }
0x67: {  	_ =	shalt  }
0x68: {  	_ =	shalt  }
0x69: {  	_ =	shalt  }
0x6a: {  	_ =	shalt  }
0x6b: {  	_ =	shalt  }
0x6c: {  	_ =	shalt  }
0x6d: {  	_ =	shalt  }
0x6e: {  	_ =	shalt  }
0x6f: {  	_ =	shalt  }
0x70: {  	_ =	shalt  }
0x71: {  	_ =	shalt  }
0x72: {  	_ =	shalt  }
0x73: {  	_ =	shalt  }
0x74: {  	_ =	shalt  }
0x75: {  	_ =	shalt  }
0x76: {  	_ =	shalt  }
0x77: {  	_ =	shalt  }
0x78: {  	_ =	shalt  }
0x79: {  	_ =	shalt  }
0x7a: {  	_ =	shalt  }
0x7b: {  	_ =	shalt  }
0x7c: {  	_ =	shalt  }
0x7d: {  	_ =	shalt  }
0x7e: {  	_ =	shalt  }
0x7f: {  	_ =	shalt  }
0x80: {  	_ =	shalt  }
0x81: {  	_ =	shalt  }
0x82: {  	_ =	shalt  }
0x83: {  	_ =	shalt  }
0x84: {  	_ =	shalt  }
0x85: {  	_ =	shalt  }
0x86: {  	_ =	shalt  }
0x87: {  	_ =	shalt  }
.Lfunc_end0:
.L_simem_size_0:
called_computation_lowered:
.L_overlay_start_0:
0x88: {  	s2 =	sld [smem:$0x3FD9]  }
0x89: {  	s3 =	sld [smem:$0x3FFE];
	_ =	sdelay $0x1  }
0x8a: {  	s1 =	srdreg.scid  }
0x8b: {  	s0 =	sand.u32 $0x1, s1  }
0x8c: {  	s17 =	sshll.u32 s0, $0xA;
	s2 =	sadd.s32 s3, s2  }
0x8d: {  	s2 =	sadd.s32 s2, s17  }
0x8e: {  	[smem:$0x3FC6] =	sst s2  }
0x8f: {  	_ = 	snop  }
0x90: {  	s2 =	sld [smem:$0x3FC9]  }
0x91: {  	s18 =	sld [smem:$0x3FD0];
	(tm) =	ssettm $0x1  }
0x92: {  	s4 =	sld [smem:$0x3FFB];
	_ =	sdelay $0x3  }
0x93: {  	_ =	strace s4  }
0x94: {  	s4 =	sld [smem:$0x3FFC];
	_ =	sdelay $0x3  }
0x95: {  	_ =	strace s4  }
0x96: {  	s4 =	sld [smem:$0x3FFD];
	_ =	sdelay $0x3  }
0x97: {  	_ =	strace s4  }
0x98: {  	_ =	strace $0x8FFFFFFF  }
0x99: {  	s19 =	sld [smem:$0x3FDB];
	_ =	sdelay $0x1  }
0x9a: {  	s5 =	simm.s32 $_scs_section_size  }
0x9b: {  	s6 =	simm.s32 $_size__tile_overlayer_lowered;
	s7 =	simm.s32 $_tile_overlayer_lowered  }
0x9c: {  	s22 =	simm.s32 $0x1BFF;
	s21 =	sshll.u32 s7, $0x1;
	s4 =	sadd.s32 s5, s19  }
0x9d: {  	s8 =	simm.s32 $0x0;
	s20 =	sshll.u32 s6, $0x1;
	s6 =	sadd.s32 s21, s4  }
0x9e: {  	[timem:s8], [sflag:s22] =	dma.local [hbm:s6], s20  }
0x9f: {  	_ =	swait.ge [sflag:s22], s20  }
0xa0: {  	s5 =	ssub.s32 $0x0, s20;
	[sflag:s22] =	ssyncset.done $0x0  }
0xa1: {  	[sflag:s22] =	ssyncadd.s32 s5;
	_ =	sdelay $0x1  }
0xa2: {  	s23 =	simm.s32 $0x1B8B  }
0xa3: {  	_ =	swait.ge [sflag:s23], $0x1  }
0xa4: {  	[sflag:s23] =	ssyncset.done $0x0  }
0xa5: {  	s25 =	simm.s32 $0x1B8E;
	s24 =	sld [smem:$0x3FFE];
	[sflag:s23] =	ssyncadd.s32 $0xFFFFFFFF  }
0xa6: {  	s26 =	simm.s32 $execute0_lowered;
	[smem:$0x3FD2] =	sst s25  }
0xa7: {  	s6 =	sshll.u32 s26, $0x1;
	_ =	strace $0x80000046;
	[dreg:$0x1] =	wrdreg $0xFFFFFFFF  }
0xa8: {  	s28 =	simm.s32 $_size_execute0_lowered;
	s4 =	sadd.s32 s4, s6;
	[dreg:$0x0] =	wrdreg $0x0  }
0xa9: {  	s6 =	sshll.u32 s28, $0x1;
	[dreg:$0x2] =	wrdreg s4  }
0xaa: {  	[dreg:$0x3] =	wrdreg s6  }
0xab: {  	[dreg:$0x4] =	wrdreg $0xC0  }
0xac: {  	_ =	task [dreg:s8], $0x5FFFF  }
0xad: {  	[dreg:$0x1] =	wrdreg $0xFFFFFFFF  }
0xae: {  	[dreg:$0x0] =	wrdreg $0x60  }
0xaf: {  	[dreg:$0x2] =	wrdreg s2  }
0xb0: {  	[dreg:$0x3] =	wrdreg s24  }
0xb1: {  	[dreg:$0x4] =	wrdreg s18  }
0xb2: {  	[dreg:$0x5] =	wrdreg $0x9  }
0xb3: {  	_ =	task.clear_ibuf [dreg:s8], $0x6FFFF;
	_ =	strace $0x90000046  }
0xb4: {  	s29 =	simm.s32 $0x9;
	_ =	strace $0x80000048  }
0xb5: {  	_ =	swait.ge [sflag:s29], $0x1  }
0xb6: {  	[sflag:s29] =	ssyncadd.s32 $0xFFFFFFFF  }
0xb7: {  	_ =	strace $0x90000048  }
0xb8: {  	_ =	sfence  }
0xb9: {  	s30 =	sld [smem:$0x0];
	_ =	sdelay $0x2  }
0xba: {  	s31 =	sshll.u32 s1, $0xD;
	s1 =	sshrl.u32 s1, $0x2  }
0xbb: {  	s3 =	sand.u32 $0x4000, s31;
	s1 =	sadd.s32 s1, s30  }
0xbc: {  	s0 =	sor.u32 s3, s0;
	s1 =	sshll.u32 s1, $0x11  }
0xbd: {  	s0 =	sor.u32 s1, s0  }
0xbe: {  	s0 =	sadd.s32 $0x8F2B, s0  }
0xbf: {  	[sflag:s0] =	ssyncadd.remote.s32 $0x1  }
0xc0: {  	_ =	sfence.sel $0xFFFF  }
0xc1: {  	[dreg:$0x0] =	wrdreg $0xFFFFFFFF;
	(pc) =	sbr.abs _section_cstart, $3  }
0xc2: {  	[dreg:$0x1] =	wrdreg $0xFFFFFFFF  }
0xc3: {  	_ =	task.clear_ibuf [dreg:s8], $0x2FFFF;
	_ =	strace $0x9FFFFFFF  }
0xc4: {  	(tm) =	ssettm $0x7FFFFFFF  }
0xc5: {  	_ =	shalt  }
tec
execute0_lowered:
.L_overlay_start_1:
0x0: {  	(tag) =	ssettag $0x1  }
0x1: {  	s0 =	srdreg.scid;
	s3 =	rddreg [dreg:$0x0]  }
0x2: {  	s6 =	stileid.u32;
	s4 =	rddreg [dreg:$0x1]  }
0x3: {  	s2 =	simm.s32 $0x1;
	s5 =	rddreg [dreg:$0x2];
	s28 =	simm.s32 $0x9  }
0x4: {  	s29 =	simm.s32 $0x180;
	s30 =	simm.s32 $0x200;
	s31 =	simm.s32 $0x280  }
0x5: {  	s17 =	simm.s32 $0x14400;
	s16 =	simm.s32 $0x18400;
	s14 =	simm.s32 $0x3  }
0x6: {  	s13 =	simm.s32 $0x4;
	s12 =	simm.s32 $0x5;
	s11 =	simm.s32 $0x6  }
0x7: {  	s10 =	simm.s32 $0x7;
	s0 =	sand.u32 $0x1, s0;
	s1 =	sshll.u32 s6, $0x1  }
0x8: {  	s9 =	simm.s32 $0x8;
	s1 =	sor.u32 s0, s1;
	p1 =	seq.s32 s0, $0x1  }
0x9: {  	s7 =	sshll.u32 s0, $0xD;
	s0 =	ssub.s32 $0x2, s0;
	p0 =	seq.s32 s1, $0x0  }
0xa: {  	s20 =	smul.u32 $0x680, s1;
	s1 =	sshll.u32 s1, $0xE;
	s24 =	sshrl.u32 s0, $0x1  }
0xb: {  	p0 =	por !p0, !p1;
	s15 =	sadd.s32 s5, s1;
	s0 =	ssub.s32 s0, s24  }
0xc: {  	s24 =	simm.s32 $0x380;
	p0 =	por !p0, !p0;
	s21 =	sadd.s32 s20, s4  }
0xd: {  	s22 =	sadd.s32 $0x800, s15;
	s23 =	sadd.s32 $0x1000, s15;
	s25 =	sadd.s32 $0x1800, s15  }
0xe: {  	s26 =	sadd.s32 $0x2000, s15;
	s4 =	simm.s32 $0x1;
	s5 =	sadd.s32 $0x3800, s15  }
0xf: {  	s0 =	smax.u32 s0, $0x1;
	s20 =	simm.s32 $0xC400;
	s2 =	simm.s32 @!p0 $0x0  }
0x10: {  	s18 =	sadd.s32 $0x400, s21;
	s21 =	simm.s32 $0x80;
	s2 =	ssub.s32 s6, s2  }
0x11: {  	s6 =	sshll.u32 s2, $0xB;
	s8 =	sshll.u32 s2, $0x7;
	s2 =	simm.s32 $0x0  }
0x12: {  	p1 =	sne.s32 s0, $0x1;
	s1 =	sadd.s32 $0xFFFFFFFF, s0;
	[smem:$0x7FF] =	sst s2  }
0x13: {  	p0 =	por $0x0, $0x0;
	_ =	strace $0x80000047;
	[dreg:$0x5] =	wrdreg s22  }
0x14: {  	s6 =	sand.u32 $0xFFFFC000, s6;
	s19 =	sand.u32 $0x380, s8;
	[dreg:$0x6] =	wrdreg s23  }
0x15: {  	s8 =	sadd.s32 $0x2800, s15;
	s6 =	sor.u32 s7, s6;
	[dreg:$0x7] =	wrdreg s25  }
.Ltmp0:
0x16: {  	[dreg:$0x8] =	wrdreg s26;
	s6 =	sor.u32 s19, s6;
	(pc) =	sbr.rel @!p1 .LBB2_3-.Ltmp0, $4  }
0x17: {  	s7 =	simm.s32 $0x400;
	s23 =	simm.s32 $0x4400;
	s6 =	sshrl.u32 s6, $0x3  }
0x18: {  	s25 =	simm.s32 $0x100;
	s22 =	simm.s32 $0x8400;
	s3 =	sadd.s32 s3, s6  }
0x19: {  	s26 =	simm.s32 $0x300;
	s19 =	simm.s32 $0x10400;
	[dreg:$0x4] =	wrdreg s3  }
0x1a: {  	s6 =	sadd.s32 $0x3000, s15;
	s3 =	simm.s32 $0x2;
	s0 =	rddreg [dreg:$0x4]  }
0x1b: {  	[tilespmem:s2], [sflag:$0x9] =	stream.strided.gather [hbm4b:s0+s21], $0x400, s7, s21, $0x38;
	[tilespmem:$0x1C400] =	vst v63  }
0x1c: {  	_ =	swait.ge [sflag:s28], $0x400  }
0x1d: {  	[sflag:s28] =	ssyncset.done $0x0  }
0x1e: {  	[sflag:s28] =	ssyncadd.s32 $0xFFFFFC00  }
0x1f: {  	[tilespmem:s7], [sflag:$0x1] =	stream.indirect.gather [hbm4b:s18+s21], $0x80, s2, s21, $0xb8;
	[tilespmem:$0x1C400] =	vst v63  }
0x20: {  	_ = 	snop  }
0x21: {  	[tilespmem:s23], [sflag:$0x1] =	stream.indirect.gather [hbm4b:s18+s21], $0x80, s21, s21, $0xb8;
	[tilespmem:$0x1C400] =	vst v63  }
0x22: {  	_ = 	snop  }
0x23: {  	[tilespmem:s22], [sflag:$0x1] =	stream.indirect.gather [hbm4b:s18+s21], $0x80, s25, s21, $0xb8;
	[tilespmem:$0x1C400] =	vst v63  }
0x24: {  	_ = 	snop  }
0x25: {  	[tilespmem:s20], [sflag:$0x1] =	stream.indirect.gather [hbm4b:s18+s21], $0x80, s29, s21, $0xb8;
	[tilespmem:$0x1C400] =	vst v63  }
0x26: {  	_ = 	snop  }
0x27: {  	[tilespmem:s19], [sflag:$0x1] =	stream.indirect.gather [hbm4b:s18+s21], $0x80, s30, s21, $0xb8;
	[tilespmem:$0x1C400] =	vst v63  }
0x28: {  	_ = 	snop  }
0x29: {  	[tilespmem:s17], [sflag:$0x1] =	stream.indirect.gather [hbm4b:s18+s21], $0x80, s31, s21, $0xb8;
	[tilespmem:$0x1C400] =	vst v63  }
0x2a: {  	_ =	swait.ge [sflag:s4], $0x4000  }
0x2b: {  	[sflag:s4] =	ssyncset.done $0x0  }
0x2c: {  	[sflag:s4] =	ssyncadd.s32 $0xFFFFC000  }
0x2d: {  	[hbm4b:s15+s2] =	stream.linear.scatter [tilespmem:s7], [sflag:$0x2], $0x4000, $0x38;
	[tilespmem:$0x1C400] =	vst v63  }
0x2e: {  	_ = 	snop  }
0x2f: {  	[tilespmem:s16], [sflag:$0x1] =	stream.indirect.gather [hbm4b:s18+s21], $0x80, s26, s21, $0xb8;
	[tilespmem:$0x1C400] =	vst v63  }
0x30: {  	_ =	swait.ge [sflag:s4], $0x4000  }
0x31: {  	[sflag:s4] =	ssyncset.done $0x0  }
0x32: {  	s0 =	rddreg [dreg:$0x5];
	[sflag:s4] =	ssyncadd.s32 $0xFFFFC000  }
0x33: {  	[hbm4b:s0+s2] =	stream.linear.scatter [tilespmem:s23], [sflag:$0x3], $0x4000, $0x38;
	[tilespmem:$0x1C400] =	vst v63  }
0x34: {  	_ =	swait.ge [sflag:s3], $0x4000  }
0x35: {  	[sflag:s3] =	ssyncset.done $0x0  }
0x36: {  	[sflag:s3] =	ssyncadd.s32 $0xFFFFC000  }
0x37: {  	[tilespmem:s7], [sflag:$0x1] =	stream.indirect.gather [hbm4b:s18+s21], $0x80, s24, s21, $0xb8;
	[tilespmem:$0x1C400] =	vst v63  }
0x38: {  	_ =	swait.ge [sflag:s4], $0x4000  }
0x39: {  	[sflag:s4] =	ssyncset.done $0x0  }
0x3a: {  	s0 =	rddreg [dreg:$0x6];
	[sflag:s4] =	ssyncadd.s32 $0xFFFFC000  }
0x3b: {  	[hbm4b:s0+s2] =	stream.linear.scatter [tilespmem:s22], [sflag:$0x4], $0x4000, $0x38;
	[tilespmem:$0x1C400] =	vst v63  }
0x3c: {  	_ =	swait.ge [sflag:s4], $0x4000  }
0x3d: {  	[sflag:s4] =	ssyncset.done $0x0  }
0x3e: {  	s0 =	rddreg [dreg:$0x7];
	[sflag:s4] =	ssyncadd.s32 $0xFFFFC000  }
0x3f: {  	[hbm4b:s0+s2] =	stream.linear.scatter [tilespmem:s20], [sflag:$0x5], $0x4000, $0x38;
	[tilespmem:$0x1C400] =	vst v63  }
0x40: {  	_ =	swait.ge [sflag:s4], $0x4000  }
0x41: {  	[sflag:s4] =	ssyncset.done $0x0  }
0x42: {  	s0 =	rddreg [dreg:$0x8];
	[sflag:s4] =	ssyncadd.s32 $0xFFFFC000  }
0x43: {  	[hbm4b:s0+s2] =	stream.linear.scatter [tilespmem:s19], [sflag:$0x6], $0x4000, $0x38;
	[tilespmem:$0x1C400] =	vst v63  }
0x44: {  	_ =	swait.ge [sflag:s4], $0x4000  }
0x45: {  	[sflag:s4] =	ssyncset.done $0x0  }
0x46: {  	[sflag:s4] =	ssyncadd.s32 $0xFFFFC000  }
0x47: {  	[hbm4b:s8+s2] =	stream.linear.scatter [tilespmem:s17], [sflag:$0x7], $0x4000, $0x38;
	[tilespmem:$0x1C400] =	vst v63  }
0x48: {  	_ =	swait.ge [sflag:s4], $0x4000  }
0x49: {  	[sflag:s4] =	ssyncset.done $0x0  }
0x4a: {  	[sflag:s4] =	ssyncadd.s32 $0xFFFFC000  }
0x4b: {  	[hbm4b:s6+s2] =	stream.linear.scatter [tilespmem:s16], [sflag:$0x8], $0x4000, $0x38;
	[tilespmem:$0x1C400] =	vst v63  }
0x4c: {  	_ =	swait.ge [sflag:s4], $0x4000  }
0x4d: {  	[sflag:s4] =	ssyncset.done $0x0  }
0x4e: {  	[sflag:s4] =	ssyncadd.s32 $0xFFFFC000  }
0x4f: {  	[hbm4b:s5+s2] =	stream.linear.scatter [tilespmem:s7], [sflag:$0x2], $0x4000, $0x38;
	[tilespmem:$0x1C400] =	vst v63  }
0x50: {  	_ =	swait.ge [sflag:s14], $0x4000  }
0x51: {  	[sflag:s14] =	ssyncset.done $0x0  }
0x52: {  	[sflag:s14] =	ssyncadd.s32 $0xFFFFC000  }
0x53: {  	_ =	swait.ge [sflag:s13], $0x4000  }
0x54: {  	[sflag:s13] =	ssyncset.done $0x0  }
0x55: {  	[sflag:s13] =	ssyncadd.s32 $0xFFFFC000  }
0x56: {  	_ =	swait.ge [sflag:s12], $0x4000  }
0x57: {  	[sflag:s12] =	ssyncset.done $0x0  }
0x58: {  	[sflag:s12] =	ssyncadd.s32 $0xFFFFC000  }
0x59: {  	_ =	swait.ge [sflag:s11], $0x4000  }
0x5a: {  	[sflag:s11] =	ssyncset.done $0x0  }
0x5b: {  	[sflag:s11] =	ssyncadd.s32 $0xFFFFC000  }
0x5c: {  	_ =	swait.ge [sflag:s10], $0x4000  }
0x5d: {  	[sflag:s10] =	ssyncset.done $0x0  }
0x5e: {  	p1 =	sne.s32 s1, $0x1;
	[sflag:s10] =	ssyncadd.s32 $0xFFFFC000  }
.Ltmp1:
0x5f: {  	_ =	swait.ge [sflag:s9], $0x4000;
	(pc) =	sbr.rel @!p1 .LBB2_3-.Ltmp1, $4  }
0x60: {  	[sflag:s9] =	ssyncset.done $0x0  }
0x61: {  	[sflag:s9] =	ssyncadd.s32 $0xFFFFC000  }
0x62: {  	s1 =	sadd.s32 $0xFFFFFFFF, s1;
	_ =	swait.ge [sflag:s3], $0x4000  }
0x63: {  	p0 =	por $0x1, $0x1;
	s0 =	rddreg [dreg:$0x4];
	[sflag:s3] =	ssyncset.done $0x0  }
.LBB2_2:
0x64: {  	[sflag:s3] =	ssyncadd.s32 $0xFFFFC000  }
0x65: {  	[tilespmem:s2], [sflag:$0x9] =	stream.strided.gather [hbm4b:s0+s21], $0x400, s7, s21, $0x38;
	[tilespmem:$0x1C400] =	vst v63  }
0x66: {  	_ =	swait.ge [sflag:s28], $0x400  }
0x67: {  	[sflag:s28] =	ssyncset.done $0x0  }
0x68: {  	[sflag:s28] =	ssyncadd.s32 $0xFFFFFC00  }
0x69: {  	[tilespmem:s7], [sflag:$0x1] =	stream.indirect.gather [hbm4b:s18+s21], $0x80, s2, s21, $0xb8;
	[tilespmem:$0x1C400] =	vst v63  }
0x6a: {  	_ = 	snop  }
0x6b: {  	[tilespmem:s23], [sflag:$0x1] =	stream.indirect.gather [hbm4b:s18+s21], $0x80, s21, s21, $0xb8;
	[tilespmem:$0x1C400] =	vst v63  }
0x6c: {  	_ = 	snop  }
0x6d: {  	[tilespmem:s22], [sflag:$0x1] =	stream.indirect.gather [hbm4b:s18+s21], $0x80, s25, s21, $0xb8;
	[tilespmem:$0x1C400] =	vst v63  }
0x6e: {  	_ = 	snop  }
0x6f: {  	[tilespmem:s20], [sflag:$0x1] =	stream.indirect.gather [hbm4b:s18+s21], $0x80, s29, s21, $0xb8;
	[tilespmem:$0x1C400] =	vst v63  }
0x70: {  	_ = 	snop  }
0x71: {  	[tilespmem:s19], [sflag:$0x1] =	stream.indirect.gather [hbm4b:s18+s21], $0x80, s30, s21, $0xb8;
	[tilespmem:$0x1C400] =	vst v63  }
0x72: {  	_ = 	snop  }
0x73: {  	[tilespmem:s17], [sflag:$0x1] =	stream.indirect.gather [hbm4b:s18+s21], $0x80, s31, s21, $0xb8;
	[tilespmem:$0x1C400] =	vst v63  }
0x74: {  	_ =	swait.ge [sflag:s4], $0x4000  }
0x75: {  	[sflag:s4] =	ssyncset.done $0x0  }
0x76: {  	[sflag:s4] =	ssyncadd.s32 $0xFFFFC000  }
0x77: {  	[hbm4b:s15+s2] =	stream.linear.scatter [tilespmem:s7], [sflag:$0x2], $0x4000, $0x38;
	[tilespmem:$0x1C400] =	vst v63  }
0x78: {  	_ = 	snop  }
0x79: {  	[tilespmem:s16], [sflag:$0x1] =	stream.indirect.gather [hbm4b:s18+s21], $0x80, s26, s21, $0xb8;
	[tilespmem:$0x1C400] =	vst v63  }
0x7a: {  	_ =	swait.ge [sflag:s4], $0x4000  }
0x7b: {  	[sflag:s4] =	ssyncset.done $0x0  }
0x7c: {  	s0 =	rddreg [dreg:$0x5];
	[sflag:s4] =	ssyncadd.s32 $0xFFFFC000  }
0x7d: {  	[hbm4b:s0+s2] =	stream.linear.scatter [tilespmem:s23], [sflag:$0x3], $0x4000, $0x38;
	[tilespmem:$0x1C400] =	vst v63  }
0x7e: {  	_ =	swait.ge [sflag:s3], $0x4000  }
0x7f: {  	[sflag:s3] =	ssyncset.done $0x0  }
0x80: {  	[sflag:s3] =	ssyncadd.s32 $0xFFFFC000  }
0x81: {  	[tilespmem:s7], [sflag:$0x1] =	stream.indirect.gather [hbm4b:s18+s21], $0x80, s24, s21, $0xb8;
	[tilespmem:$0x1C400] =	vst v63  }
0x82: {  	_ =	swait.ge [sflag:s4], $0x4000  }
0x83: {  	[sflag:s4] =	ssyncset.done $0x0  }
0x84: {  	s0 =	rddreg [dreg:$0x6];
	[sflag:s4] =	ssyncadd.s32 $0xFFFFC000  }
0x85: {  	[hbm4b:s0+s2] =	stream.linear.scatter [tilespmem:s22], [sflag:$0x4], $0x4000, $0x38;
	[tilespmem:$0x1C400] =	vst v63  }
0x86: {  	_ =	swait.ge [sflag:s4], $0x4000  }
0x87: {  	[sflag:s4] =	ssyncset.done $0x0  }
0x88: {  	s0 =	rddreg [dreg:$0x7];
	[sflag:s4] =	ssyncadd.s32 $0xFFFFC000  }
0x89: {  	[hbm4b:s0+s2] =	stream.linear.scatter [tilespmem:s20], [sflag:$0x5], $0x4000, $0x38;
	[tilespmem:$0x1C400] =	vst v63  }
0x8a: {  	_ =	swait.ge [sflag:s4], $0x4000  }
0x8b: {  	[sflag:s4] =	ssyncset.done $0x0  }
0x8c: {  	s0 =	rddreg [dreg:$0x8];
	[sflag:s4] =	ssyncadd.s32 $0xFFFFC000  }
0x8d: {  	[hbm4b:s0+s2] =	stream.linear.scatter [tilespmem:s19], [sflag:$0x6], $0x4000, $0x38;
	[tilespmem:$0x1C400] =	vst v63  }
0x8e: {  	_ =	swait.ge [sflag:s4], $0x4000  }
0x8f: {  	[sflag:s4] =	ssyncset.done $0x0  }
0x90: {  	[sflag:s4] =	ssyncadd.s32 $0xFFFFC000  }
0x91: {  	[hbm4b:s8+s2] =	stream.linear.scatter [tilespmem:s17], [sflag:$0x7], $0x4000, $0x38;
	[tilespmem:$0x1C400] =	vst v63  }
0x92: {  	_ =	swait.ge [sflag:s4], $0x4000  }
0x93: {  	[sflag:s4] =	ssyncset.done $0x0  }
0x94: {  	[sflag:s4] =	ssyncadd.s32 $0xFFFFC000  }
0x95: {  	[hbm4b:s6+s2] =	stream.linear.scatter [tilespmem:s16], [sflag:$0x8], $0x4000, $0x38;
	[tilespmem:$0x1C400] =	vst v63  }
0x96: {  	_ =	swait.ge [sflag:s4], $0x4000  }
0x97: {  	[sflag:s4] =	ssyncset.done $0x0  }
0x98: {  	[sflag:s4] =	ssyncadd.s32 $0xFFFFC000  }
0x99: {  	[hbm4b:s5+s2] =	stream.linear.scatter [tilespmem:s7], [sflag:$0x2], $0x4000, $0x38;
	[tilespmem:$0x1C400] =	vst v63  }
0x9a: {  	_ =	swait.ge [sflag:s14], $0x4000  }
0x9b: {  	[sflag:s14] =	ssyncset.done $0x0  }
0x9c: {  	[sflag:s14] =	ssyncadd.s32 $0xFFFFC000  }
0x9d: {  	_ =	swait.ge [sflag:s13], $0x4000  }
0x9e: {  	[sflag:s13] =	ssyncset.done $0x0  }
0x9f: {  	[sflag:s13] =	ssyncadd.s32 $0xFFFFC000  }
0xa0: {  	_ =	swait.ge [sflag:s12], $0x4000  }
0xa1: {  	[sflag:s12] =	ssyncset.done $0x0  }
0xa2: {  	[sflag:s12] =	ssyncadd.s32 $0xFFFFC000  }
0xa3: {  	_ =	swait.ge [sflag:s11], $0x4000  }
0xa4: {  	[sflag:s11] =	ssyncset.done $0x0  }
0xa5: {  	[sflag:s11] =	ssyncadd.s32 $0xFFFFC000  }
0xa6: {  	_ =	swait.ge [sflag:s10], $0x4000  }
0xa7: {  	[sflag:s10] =	ssyncset.done $0x0  }
0xa8: {  	p1 =	sne.s32 s1, $0x1;
	[sflag:s10] =	ssyncadd.s32 $0xFFFFC000  }
.Ltmp2:
0xa9: {  	_ =	swait.ge [sflag:s9], $0x4000;
	(pc) =	sbr.rel @p1 .LBB2_2-.Ltmp2, $4  }
0xaa: {  	[sflag:s9] =	ssyncset.done $0x0  }
0xab: {  	[sflag:s9] =	ssyncadd.s32 $0xFFFFC000  }
0xac: {  	_ =	swait.ge [sflag:s3], $0x4000  }
0xad: {  	s1 =	sadd.s32 $0xFFFFFFFF, s1;
	s0 =	rddreg [dreg:$0x4];
	[sflag:s3] =	ssyncset.done $0x0  }
.LBB2_3:
0xae: {  	[sflag:s3] =	ssyncadd.s32 @p0 $0xFFFFC000  }
0xaf: {  	[tilespmem:s2], [sflag:$0x9] =	stream.strided.gather [hbm4b:s0+s21], $0x400, s7, s21, $0x38;
	[tilespmem:$0x1C400] =	vst v63  }
0xb0: {  	_ =	swait.ge [sflag:s28], $0x400  }
0xb1: {  	[sflag:s28] =	ssyncset.done $0x0  }
0xb2: {  	[sflag:s28] =	ssyncadd.s32 $0xFFFFFC00  }
0xb3: {  	[tilespmem:s7], [sflag:$0x1] =	stream.indirect.gather [hbm4b:s18+s21], $0x80, s2, s21, $0xb8;
	[tilespmem:$0x1C400] =	vst v63  }
0xb4: {  	_ = 	snop  }
0xb5: {  	[tilespmem:s23], [sflag:$0x1] =	stream.indirect.gather [hbm4b:s18+s21], $0x80, s21, s21, $0xb8;
	[tilespmem:$0x1C400] =	vst v63  }
0xb6: {  	_ = 	snop  }
0xb7: {  	[tilespmem:s22], [sflag:$0x1] =	stream.indirect.gather [hbm4b:s18+s21], $0x80, s25, s21, $0xb8;
	[tilespmem:$0x1C400] =	vst v63  }
0xb8: {  	_ = 	snop  }
0xb9: {  	[tilespmem:s20], [sflag:$0x1] =	stream.indirect.gather [hbm4b:s18+s21], $0x80, s29, s21, $0xb8;
	[tilespmem:$0x1C400] =	vst v63  }
0xba: {  	_ = 	snop  }
0xbb: {  	[tilespmem:s19], [sflag:$0x1] =	stream.indirect.gather [hbm4b:s18+s21], $0x80, s30, s21, $0xb8;
	[tilespmem:$0x1C400] =	vst v63  }
0xbc: {  	_ = 	snop  }
0xbd: {  	[tilespmem:s17], [sflag:$0x1] =	stream.indirect.gather [hbm4b:s18+s21], $0x80, s31, s21, $0xb8;
	[tilespmem:$0x1C400] =	vst v63  }
0xbe: {  	_ =	swait.ge [sflag:s4], $0x4000  }
0xbf: {  	[sflag:s4] =	ssyncset.done $0x0  }
0xc0: {  	[sflag:s4] =	ssyncadd.s32 $0xFFFFC000  }
0xc1: {  	[hbm4b:s15+s2] =	stream.linear.scatter [tilespmem:s7], [sflag:$0x2], $0x4000, $0x38;
	[tilespmem:$0x1C400] =	vst v63  }
0xc2: {  	_ = 	snop  }
0xc3: {  	[tilespmem:s16], [sflag:$0x1] =	stream.indirect.gather [hbm4b:s18+s21], $0x80, s26, s21, $0xb8;
	[tilespmem:$0x1C400] =	vst v63  }
0xc4: {  	_ =	swait.ge [sflag:s4], $0x4000  }
0xc5: {  	[sflag:s4] =	ssyncset.done $0x0  }
0xc6: {  	s26 =	rddreg [dreg:$0x5];
	[sflag:s4] =	ssyncadd.s32 $0xFFFFC000  }
0xc7: {  	[hbm4b:s26+s2] =	stream.linear.scatter [tilespmem:s23], [sflag:$0x3], $0x4000, $0x38;
	[tilespmem:$0x1C400] =	vst v63  }
0xc8: {  	_ =	swait.ge [sflag:s3], $0x4000  }
0xc9: {  	[sflag:s3] =	ssyncset.done $0x0  }
0xca: {  	[sflag:s3] =	ssyncadd.s32 $0xFFFFC000  }
0xcb: {  	[tilespmem:s7], [sflag:$0x1] =	stream.indirect.gather [hbm4b:s18+s21], $0x80, s24, s21, $0xb8;
	[tilespmem:$0x1C400] =	vst v63  }
0xcc: {  	_ =	swait.ge [sflag:s4], $0x4000  }
0xcd: {  	[sflag:s4] =	ssyncset.done $0x0  }
0xce: {  	s28 =	rddreg [dreg:$0x6];
	[sflag:s4] =	ssyncadd.s32 $0xFFFFC000  }
0xcf: {  	[hbm4b:s28+s2] =	stream.linear.scatter [tilespmem:s22], [sflag:$0x4], $0x4000, $0x38;
	[tilespmem:$0x1C400] =	vst v63  }
0xd0: {  	_ =	swait.ge [sflag:s4], $0x4000  }
0xd1: {  	[sflag:s4] =	ssyncset.done $0x0  }
0xd2: {  	s29 =	rddreg [dreg:$0x7];
	[sflag:s4] =	ssyncadd.s32 $0xFFFFC000  }
0xd3: {  	[hbm4b:s29+s2] =	stream.linear.scatter [tilespmem:s20], [sflag:$0x5], $0x4000, $0x38;
	[tilespmem:$0x1C400] =	vst v63  }
0xd4: {  	_ =	swait.ge [sflag:s4], $0x4000  }
0xd5: {  	[sflag:s4] =	ssyncset.done $0x0  }
0xd6: {  	s30 =	rddreg [dreg:$0x8];
	[sflag:s4] =	ssyncadd.s32 $0xFFFFC000  }
0xd7: {  	[hbm4b:s30+s2] =	stream.linear.scatter [tilespmem:s19], [sflag:$0x6], $0x4000, $0x38;
	[tilespmem:$0x1C400] =	vst v63  }
0xd8: {  	_ =	swait.ge [sflag:s4], $0x4000  }
0xd9: {  	[sflag:s4] =	ssyncset.done $0x0  }
0xda: {  	[sflag:s4] =	ssyncadd.s32 $0xFFFFC000  }
0xdb: {  	[hbm4b:s8+s2] =	stream.linear.scatter [tilespmem:s17], [sflag:$0x7], $0x4000, $0x38;
	[tilespmem:$0x1C400] =	vst v63  }
0xdc: {  	_ =	swait.ge [sflag:s4], $0x4000  }
0xdd: {  	[sflag:s4] =	ssyncset.done $0x0  }
0xde: {  	[sflag:s4] =	ssyncadd.s32 $0xFFFFC000  }
0xdf: {  	[hbm4b:s6+s2] =	stream.linear.scatter [tilespmem:s16], [sflag:$0x8], $0x4000, $0x38;
	[tilespmem:$0x1C400] =	vst v63  }
0xe0: {  	_ =	swait.ge [sflag:s4], $0x4000  }
0xe1: {  	[sflag:s4] =	ssyncset.done $0x0  }
0xe2: {  	[sflag:s4] =	ssyncadd.s32 $0xFFFFC000  }
0xe3: {  	[hbm4b:s5+s2] =	stream.linear.scatter [tilespmem:s7], [sflag:$0x2], $0x4000, $0x38;
	[tilespmem:$0x1C400] =	vst v63  }
0xe4: {  	_ =	swait.ge [sflag:s14], $0x4000  }
0xe5: {  	[sflag:s14] =	ssyncset.done $0x0  }
0xe6: {  	[sflag:s14] =	ssyncadd.s32 $0xFFFFC000  }
0xe7: {  	_ =	swait.ge [sflag:s13], $0x4000  }
0xe8: {  	[sflag:s13] =	ssyncset.done $0x0  }
0xe9: {  	[sflag:s13] =	ssyncadd.s32 $0xFFFFC000  }
0xea: {  	_ =	swait.ge [sflag:s12], $0x4000  }
0xeb: {  	[sflag:s12] =	ssyncset.done $0x0  }
0xec: {  	[sflag:s12] =	ssyncadd.s32 $0xFFFFC000  }
0xed: {  	_ =	swait.ge [sflag:s11], $0x4000  }
0xee: {  	[sflag:s11] =	ssyncset.done $0x0  }
0xef: {  	[sflag:s11] =	ssyncadd.s32 $0xFFFFC000  }
0xf0: {  	_ =	swait.ge [sflag:s10], $0x4000  }
0xf1: {  	[sflag:s10] =	ssyncset.done $0x0  }
0xf2: {  	[sflag:s10] =	ssyncadd.s32 $0xFFFFC000  }
0xf3: {  	_ =	swait.ge [sflag:s9], $0x4000  }
0xf4: {  	[sflag:s9] =	ssyncset.done $0x0  }
0xf5: {  	[sflag:s9] =	ssyncadd.s32 $0xFFFFC000  }
0xf6: {  	_ =	swait.ge [sflag:s3], $0x4000  }
0xf7: {  	[sflag:s3] =	ssyncset.done $0x0  }
0xf8: {  	[sflag:s3] =	ssyncadd.s32 $0xFFFFC000  }
0xf9: {  	_ =	sfence.sel $0x180000  }
0xfa: {  	[bflag:$0x0] =	sbarrier.arrive $0xFFFF  }
0xfb: {  	_ =	strace $0x90000047  }
0xfc: {  	s31 =	stileid.u32;
	[bflag:$0x2] =	sbarrier.arrive $0xFFFF  }
0xfd: {  	p0 =	sne.s32 s31, $0x0;
	s0 =	rddreg [dreg:$0x3]  }
0xfe: {  	s0 =	sadd.s32 @!p0 $0x100000, s0  }
0xff: {  	[sflag:s0] =	ssyncadd.tile.s32 @!p0 $0x1;
	_ =	shalt  }
.Lfunc_end2:
_tile_overlayer_lowered:
.L_overlay_start_2:
0x100: {  	(tag) =	ssettag $0x2  }
0x101: {  	s0 =	rddreg [dreg:$0x0];
	s2 =	stileid.u32  }
0x102: {  	s1 =	rddreg [dreg:$0x1];
	p0 =	sne.s32 s2, $0x0  }
0x103: {  	s3 =	rddreg [dreg:$0x2];
	[bflag:$0x3] =	sbarrier.arrive $0xFFFF;
	s2 =	simm.s32 @!p0 $0x1C09  }
0x104: {  	[timem:s3], [sflag:s2] =	dma.local @!p0 [hbm:s0], s1  }
0x105: {  	s0 =	simm.s32 @!p0 $0x9  }
0x106: {  	_ =	swait.ge @!p0 [sflag:s0], s1  }
0x107: {  	s1 =	ssub.s32 @!p0 $0x0, s1;
	[sflag:s0] =	ssyncset.done @!p0 $0x0  }
0x108: {  	[sflag:s0] =	ssyncadd.s32 @!p0 s1  }
0x109: {  	[bflag:$0x3] =	sbarrier.arrive $0xFFFF  }
0x10a: {  	_ =	shalt  }

</sc_bundles>
